<compile_context>
chip_gen: v7x
topology: tpu7x:2x2x1
jax: 0.10.2.dev20260603
libtpu: 0.0.44.dev20260713+nightly
codegen_flags: <defaults>
</compile_context>

<pallas_src>
import functools

import jax
import jax.numpy as jnp
from jax import lax
from jax.experimental import pallas as pl
from jax.experimental.pallas import tpu as pltpu
from jax.experimental.pallas import tpu_sc as plsc

EMBED = 128
NW = 32
LANES = 16
NBUF = 6
LOOKAHEAD = 3


def _body(ns, blk, num_buckets, xt_hbm, table_hbm, out_hbm, idx_v, rows_v,
          gsem, osem):
    wid = lax.axis_index("s") * 2 + lax.axis_index("c")
    col0 = wid * blk

    pltpu.sync_copy(xt_hbm.at[wid], idx_v)

    def trans(s, _):
        def vec(i, _):
            v = idx_v[s, pl.ds(i * LANES, LANES)]
            r = lax.rem(v, num_buckets) + 1
            idx_v[s, pl.ds(i * LANES, LANES)] = jnp.where(v == 0, 0, r)
            return 0
        return lax.fori_loop(0, blk // LANES, vec, 0)

    lax.fori_loop(0, ns, trans, 0)

    def gather(s, b):
        return pltpu.make_async_copy(
            table_hbm.at[idx_v.at[s]], rows_v.at[b], gsem.at[b])

    def out_copy(s, b):
        return pltpu.make_async_copy(
            rows_v.at[b], out_hbm.at[s, pl.ds(col0, blk)], osem.at[b])

    for k in range(LOOKAHEAD):
        gather(k, k).start()

    def step(s, _):
        g = s + LOOKAHEAD
        bg = lax.rem(g, NBUF)

        @pl.when(g < ns)
        def _():
            @pl.when(g >= NBUF)
            def _():
                out_copy(g - NBUF, bg).wait()
            gather(g, bg).start()

        b = lax.rem(s, NBUF)
        gather(s, b).wait()
        out_copy(s, b).start()
        return 0

    lax.fori_loop(0, ns, step, 0)

    for k in range(NBUF):
        s = ns - NBUF + k
        out_copy(s, s % NBUF).wait()


@functools.partial(jax.jit, static_argnames=("ns", "blk", "num_buckets"))
def _emb(xt, table, ns, blk, num_buckets):
    mesh = plsc.VectorSubcoreMesh(core_axis_name="c", subcore_axis_name="s")
    k = functools.partial(
        pl.kernel,
        mesh=mesh,
        out_type=jax.ShapeDtypeStruct((ns, NW * blk, EMBED), jnp.float32),
        scratch_types=[
            pltpu.VMEM((ns, blk), jnp.int32),
            pltpu.VMEM((NBUF, blk, EMBED), jnp.float32),
            pltpu.SemaphoreType.DMA((NBUF,)),
            pltpu.SemaphoreType.DMA((NBUF,)),
        ],
    )(functools.partial(_body, ns, blk, num_buckets))
    return k(xt, table)


def kernel(x, table):
    num_buckets = table.shape[0] - 1
    b, s = x.shape
    blk = b // NW
    xt = x.astype(jnp.int32).reshape(NW, blk, s).swapaxes(1, 2)
    out = _emb(xt, table, s, blk, num_buckets)
    return out.transpose(1, 0, 2)

# --- scband reference (transcript-rebuilt; emitter-appended) ---
"""Pipeline reference for scband-simple-embedding-72404558676676 (READ-ONLY COPY).

The authoritative reference and input builder live on the scoring server;
editing this copy changes nothing except your own understanding.
"""

import jax, jax.numpy as jnp
import numpy as np

NUM_BUCKETS = 100000
EMBED_DIM = 128

def setup_inputs(seed: int = 0) -> dict:
    key = jax.random.key(seed)
    k1, k2 = jax.random.split(key)
    x = jax.random.randint(k1, (4096, 100), 0, 100000, dtype=jnp.int64)
    table = jax.random.normal(k2, (NUM_BUCKETS + 1, EMBED_DIM), dtype=jnp.float32) * 0.02
    return {"x": x, "table": table}

def reference(x, table):
    num_buckets = table.shape[0] - 1
    mask = (x != 0).astype(x.dtype)
    idx = x % num_buckets
    idx = (idx + 1) * mask
    return jnp.take(table, idx, axis=0)

if __name__ == "__main__":
    import jax
    _d = setup_inputs()
    print(jax.jit(kernel)(*tuple(_d.values())))

</pallas_src>

<mosaic_0001>
#map = affine_map<(d0, d1) -> (0, 0, 0)>
#map1 = affine_map<(d0, d1) -> (0, 0)>
module attributes {stable_mosaic.version = 14 : i64} {
  func.func @_body(%arg0: i32, %arg1: i32, %arg2: memref<32x100x128xi32, #tpu.memory_space<hbm>>, %arg3: memref<100001x128xf32, #tpu.memory_space<hbm>>, %arg4: memref<100x4096x128xf32, #tpu.memory_space<hbm>>, %arg5: memref<100x128xi32, #tpu.memory_space<vmem>>, %arg6: memref<6x128x128xf32, #tpu.memory_space<vmem>>, %arg7: memref<6x!tpu.dma_semaphore, #tpu.memory_space<semaphore_mem>>, %arg8: memref<6x!tpu.dma_semaphore, #tpu.memory_space<semaphore_mem>>) attributes {dimension_semantics = [#tpu.dimension_semantics<core_parallel>, #tpu.dimension_semantics<subcore_parallel>], iteration_bounds = array<i64: 2, 16>, scalar_prefetch = 0 : i64, scratch_operands = 4 : i64, tpu.core_type = #tpu.core_type<sc_vector_subcore>, window_params = [{transform_indices = #map}, {transform_indices = #map1}, {transform_indices = #map}]} {
    %mul3A = arith.constant 2 : i32
    %mul3A_0 = arith.muli %arg1, %mul3A : i32
    %add3A = arith.addi %mul3A_0, %arg0 : i32
    %mul3A_1 = arith.constant 128 : i32
    %mul3A_2 = arith.muli %add3A, %mul3A_1 : i32
    "tpu.region"() ({
      %run_scoped3A = tpu.sem_alloc : memref<!tpu.dma_semaphore, #tpu.memory_space<semaphore_mem>>
      %dma_start3A_173 = arith.constant 0 : i32
      %dma_start3A_174 = arith.constant 0 : i32
      %dma_start3A_175 = tpu.memref_slice %arg2[%add3A, %dma_start3A_173, %dma_start3A_174] : memref<32x100x128xi32, #tpu.memory_space<hbm>> -> memref<1x100x128xi32, #tpu.memory_space<hbm>>
      %dma_start3A_176 = tpu.memref_squeeze %dma_start3A_175 : memref<1x100x128xi32, #tpu.memory_space<hbm>> -> memref<100x128xi32, #tpu.memory_space<hbm>>
      %dma_start3A_177 = arith.constant 0 : i32
      %dma_start3A_178 = arith.constant 0 : i32
      %dma_start3A_179 = tpu.memref_slice %arg2[%add3A, %dma_start3A_177, %dma_start3A_178] : memref<32x100x128xi32, #tpu.memory_space<hbm>> -> memref<1x100x128xi32, #tpu.memory_space<hbm>>
      %dma_start3A_180 = tpu.memref_squeeze %dma_start3A_179 : memref<1x100x128xi32, #tpu.memory_space<hbm>> -> memref<100x128xi32, #tpu.memory_space<hbm>>
      tpu.enqueue_dma source(%dma_start3A_180 : memref<100x128xi32, #tpu.memory_space<hbm>>) target(%arg5 : memref<100x128xi32, #tpu.memory_space<vmem>>) target_semaphore(%run_scoped3A : memref<!tpu.dma_semaphore, #tpu.memory_space<semaphore_mem>>)
      %dma_wait3A_181 = arith.constant 0 : i32
      %dma_wait3A_182 = arith.constant 0 : i32
      %dma_wait3A_183 = tpu.memref_slice %arg2[%add3A, %dma_wait3A_181, %dma_wait3A_182] : memref<32x100x128xi32, #tpu.memory_space<hbm>> -> memref<1x100x128xi32, #tpu.memory_space<hbm>>
      %dma_wait3A_184 = tpu.memref_squeeze %dma_wait3A_183 : memref<1x100x128xi32, #tpu.memory_space<hbm>> -> memref<100x128xi32, #tpu.memory_space<hbm>>
      %dma_wait3A_185 = arith.constant 0 : i32
      %dma_wait3A_186 = arith.constant 0 : i32
      %dma_wait3A_187 = tpu.memref_slice %arg2[%add3A, %dma_wait3A_185, %dma_wait3A_186] : memref<32x100x128xi32, #tpu.memory_space<hbm>> -> memref<1x100x128xi32, #tpu.memory_space<hbm>>
      %dma_wait3A_188 = tpu.memref_squeeze %dma_wait3A_187 : memref<1x100x128xi32, #tpu.memory_space<hbm>> -> memref<100x128xi32, #tpu.memory_space<hbm>>
      tpu.wait_dma2 semaphore(%run_scoped3A : memref<!tpu.dma_semaphore, #tpu.memory_space<semaphore_mem>>) src(%dma_wait3A_188 : memref<100x128xi32, #tpu.memory_space<hbm>>) dst(%arg5 : memref<100x128xi32, #tpu.memory_space<vmem>>)
      tpu.yield
    }) : () -> ()
    %scan3A = arith.constant 0 : i32
    %scan3A_3 = arith.constant 0 : i32
    %scan3A_4 = arith.constant 100 : i32
    %scan3A_5 = arith.addi %scan3A_3, %scan3A_4 : i32
    %scan3A_6 = arith.constant 1 : i32
    %scan3A_7 = scf.for %scan3A_173 = %scan3A_3 to %scan3A_5 step %scan3A_6 iter_args(%scan3A_174 = %scan3A) -> (i32)  : i32 {
      %scan3A_175 = arith.constant 0 : i32
      %scan3A_176 = arith.constant 0 : i32
      %scan3A_177 = arith.constant 8 : i32
      %scan3A_178 = arith.addi %scan3A_176, %scan3A_177 : i32
      %scan3A_179 = arith.constant 1 : i32
      %scan3A_180 = scf.for %scan3A_182 = %scan3A_176 to %scan3A_178 step %scan3A_179 iter_args(%scan3A_183 = %scan3A_175) -> (i32)  : i32 {
        %mul3A_184 = arith.constant 16 : i32
        %mul3A_185 = arith.muli %scan3A_182, %mul3A_184 : i32
        %get3A = arith.index_cast %scan3A_173 : i32 to index
        %get3A_186 = arith.index_cast %mul3A_185 : i32 to index
        %get3A_187 = tpu.vector_load %arg5[%get3A, %get3A_186] {strides = array<i32>} : memref<100x128xi32, #tpu.memory_space<vmem>>, vector<1x16xi32>,
        %get3A_188 = vector.shape_cast %get3A_187 : vector<1x16xi32> to vector<16xi32>
        %rem3A = arith.constant 100000 : i32
        %rem3A_189 = vector.broadcast %rem3A : i32 to vector<16xi32>
        %rem3A_190 = arith.remsi %get3A_188, %rem3A_189 : vector<16xi32>
        %add3A_191 = arith.constant 1 : i32
        %add3A_192 = vector.broadcast %add3A_191 : i32 to vector<16xi32>
        %add3A_193 = arith.addi %rem3A_190, %add3A_192 : vector<16xi32>
        %eq3A = arith.constant 0 : i32
        %eq3A_194 = vector.broadcast %eq3A : i32 to vector<16xi32>
        %eq3A_195 = arith.cmpi eq, %get3A_188, %eq3A_194 : vector<16xi32>
        %jit3A = arith.constant 0 : i32
        %broadcast_in_dim3A = vector.broadcast %jit3A : i32 to vector<16xi32>
        %select_n3A = arith.select %eq3A_195, %broadcast_in_dim3A, %add3A_193 : vector<16xi1>, vector<16xi32>
        %mul3A_196 = arith.constant 16 : i32
        %mul3A_197 = arith.muli %scan3A_182, %mul3A_196 : i32
        %swap3A = arith.index_cast %scan3A_173 : i32 to index
        %swap3A_198 = arith.index_cast %mul3A_197 : i32 to index
        %swap3A_199 = tpu.vector_load %arg5[%swap3A, %swap3A_198] {strides = array<i32>} : memref<100x128xi32, #tpu.memory_space<vmem>>, vector<1x16xi32>,
        %swap3A_200 = vector.shape_cast %swap3A_199 : vector<1x16xi32> to vector<16xi32>
        %swap3A_201 = vector.shape_cast %select_n3A : vector<16xi32> to vector<1x16xi32>
        tpu.vector_store %arg5[%swap3A, %swap3A_198], %swap3A_201 {strides = array<i32>} : memref<100x128xi32, #tpu.memory_space<vmem>>, vector<1x16xi32>,
        %scan3A_202 = arith.constant 0 : i32
        scf.yield %scan3A_202 : i32
      }
      %scan3A_181 = arith.constant 8 : i32
      scf.yield %scan3A_180 : i32
    }
    %scan3A_8 = arith.constant 100 : i32
    %dma_start3A = arith.constant 0 : i32
    %dma_start3A_9 = arith.constant 0 : i32
    %dma_start3A_10 = arith.constant 0 : i32
    %dma_start3A_11 = arith.constant 0 : i32
    %dma_start3A_12 = arith.constant 0 : i32
    %dma_start3A_13 = tpu.memref_slice %arg6[%dma_start3A_9, %dma_start3A_11, %dma_start3A_12] : memref<6x128x128xf32, #tpu.memory_space<vmem>> -> memref<1x128x128xf32, #tpu.memory_space<vmem>>
    %dma_start3A_14 = tpu.memref_squeeze %dma_start3A_13 : memref<1x128x128xf32, #tpu.memory_space<vmem>> -> memref<128x128xf32, #tpu.memory_space<vmem>>
    %dma_start3A_15 = arith.constant 0 : i32
    %dma_start3A_16 = tpu.memref_slice %arg5[%dma_start3A, %dma_start3A_15] : memref<100x128xi32, #tpu.memory_space<vmem>> -> memref<1x128xi32, #tpu.memory_space<vmem>>
    %dma_start3A_17 = tpu.memref_squeeze %dma_start3A_16 : memref<1x128xi32, #tpu.memory_space<vmem>> -> memref<128xi32, #tpu.memory_space<vmem>>
    %dma_start3A_18 = arith.constant 0 : i32
    %dma_start3A_19 = arith.constant 0 : i32
    %dma_start3A_20 = tpu.memref_slice %arg3[%dma_start3A_18, %dma_start3A_19] : memref<100001x128xf32, #tpu.memory_space<hbm>> -> memref<100001x128xf32, #tpu.memory_space<hbm>>
    %dma_start3A_21 = tpu.memref_slice %arg7[%dma_start3A_10] : memref<6x!tpu.dma_semaphore, #tpu.memory_space<semaphore_mem>> -> memref<1x!tpu.dma_semaphore, #tpu.memory_space<semaphore_mem>>
    %dma_start3A_22 = tpu.memref_squeeze %dma_start3A_21 : memref<1x!tpu.dma_semaphore, #tpu.memory_space<semaphore_mem>> -> memref<!tpu.dma_semaphore, #tpu.memory_space<semaphore_mem>>
    tpu.enqueue_indirect_dma source(%dma_start3A_20 : memref<100001x128xf32, #tpu.memory_space<hbm>>) target(%dma_start3A_14 : memref<128x128xf32, #tpu.memory_space<vmem>>) offsets(%dma_start3A_17 : memref<128xi32, #tpu.memory_space<vmem>>) semaphore(%dma_start3A_22 : memref<!tpu.dma_semaphore, #tpu.memory_space<semaphore_mem>>)
    %dma_start3A_23 = arith.constant 1 : i32
    %dma_start3A_24 = arith.constant 1 : i32
    %dma_start3A_25 = arith.constant 1 : i32
    %dma_start3A_26 = arith.constant 0 : i32
    %dma_start3A_27 = arith.constant 0 : i32
    %dma_start3A_28 = tpu.memref_slice %arg6[%dma_start3A_24, %dma_start3A_26, %dma_start3A_27] : memref<6x128x128xf32, #tpu.memory_space<vmem>> -> memref<1x128x128xf32, #tpu.memory_space<vmem>>
    %dma_start3A_29 = tpu.memref_squeeze %dma_start3A_28 : memref<1x128x128xf32, #tpu.memory_space<vmem>> -> memref<128x128xf32, #tpu.memory_space<vmem>>
    %dma_start3A_30 = arith.constant 0 : i32
    %dma_start3A_31 = tpu.memref_slice %arg5[%dma_start3A_23, %dma_start3A_30] : memref<100x128xi32, #tpu.memory_space<vmem>> -> memref<1x128xi32, #tpu.memory_space<vmem>>
    %dma_start3A_32 = tpu.memref_squeeze %dma_start3A_31 : memref<1x128xi32, #tpu.memory_space<vmem>> -> memref<128xi32, #tpu.memory_space<vmem>>
    %dma_start3A_33 = arith.constant 0 : i32
    %dma_start3A_34 = arith.constant 0 : i32
    %dma_start3A_35 = tpu.memref_slice %arg3[%dma_start3A_33, %dma_start3A_34] : memref<100001x128xf32, #tpu.memory_space<hbm>> -> memref<100001x128xf32, #tpu.memory_space<hbm>>
    %dma_start3A_36 = tpu.memref_slice %arg7[%dma_start3A_25] : memref<6x!tpu.dma_semaphore, #tpu.memory_space<semaphore_mem>> -> memref<1x!tpu.dma_semaphore, #tpu.memory_space<semaphore_mem>>
    %dma_start3A_37 = tpu.memref_squeeze %dma_start3A_36 : memref<1x!tpu.dma_semaphore, #tpu.memory_space<semaphore_mem>> -> memref<!tpu.dma_semaphore, #tpu.memory_space<semaphore_mem>>
    tpu.enqueue_indirect_dma source(%dma_start3A_35 : memref<100001x128xf32, #tpu.memory_space<hbm>>) target(%dma_start3A_29 : memref<128x128xf32, #tpu.memory_space<vmem>>) offsets(%dma_start3A_32 : memref<128xi32, #tpu.memory_space<vmem>>) semaphore(%dma_start3A_37 : memref<!tpu.dma_semaphore, #tpu.memory_space<semaphore_mem>>)
    %dma_start3A_38 = arith.constant 2 : i32
    %dma_start3A_39 = arith.constant 2 : i32
    %dma_start3A_40 = arith.constant 2 : i32
    %dma_start3A_41 = arith.constant 0 : i32
    %dma_start3A_42 = arith.constant 0 : i32
    %dma_start3A_43 = tpu.memref_slice %arg6[%dma_start3A_39, %dma_start3A_41, %dma_start3A_42] : memref<6x128x128xf32, #tpu.memory_space<vmem>> -> memref<1x128x128xf32, #tpu.memory_space<vmem>>
    %dma_start3A_44 = tpu.memref_squeeze %dma_start3A_43 : memref<1x128x128xf32, #tpu.memory_space<vmem>> -> memref<128x128xf32, #tpu.memory_space<vmem>>
    %dma_start3A_45 = arith.constant 0 : i32
    %dma_start3A_46 = tpu.memref_slice %arg5[%dma_start3A_38, %dma_start3A_45] : memref<100x128xi32, #tpu.memory_space<vmem>> -> memref<1x128xi32, #tpu.memory_space<vmem>>
    %dma_start3A_47 = tpu.memref_squeeze %dma_start3A_46 : memref<1x128xi32, #tpu.memory_space<vmem>> -> memref<128xi32, #tpu.memory_space<vmem>>
    %dma_start3A_48 = arith.constant 0 : i32
    %dma_start3A_49 = arith.constant 0 : i32
    %dma_start3A_50 = tpu.memref_slice %arg3[%dma_start3A_48, %dma_start3A_49] : memref<100001x128xf32, #tpu.memory_space<hbm>> -> memref<100001x128xf32, #tpu.memory_space<hbm>>
    %dma_start3A_51 = tpu.memref_slice %arg7[%dma_start3A_40] : memref<6x!tpu.dma_semaphore, #tpu.memory_space<semaphore_mem>> -> memref<1x!tpu.dma_semaphore, #tpu.memory_space<semaphore_mem>>
    %dma_start3A_52 = tpu.memref_squeeze %dma_start3A_51 : memref<1x!tpu.dma_semaphore, #tpu.memory_space<semaphore_mem>> -> memref<!tpu.dma_semaphore, #tpu.memory_space<semaphore_mem>>
    tpu.enqueue_indirect_dma source(%dma_start3A_50 : memref<100001x128xf32, #tpu.memory_space<hbm>>) target(%dma_start3A_44 : memref<128x128xf32, #tpu.memory_space<vmem>>) offsets(%dma_start3A_47 : memref<128xi32, #tpu.memory_space<vmem>>) semaphore(%dma_start3A_52 : memref<!tpu.dma_semaphore, #tpu.memory_space<semaphore_mem>>)
    %scan3A_53 = arith.constant 0 : i32
    %scan3A_54 = arith.constant 0 : i32
    %scan3A_55 = arith.constant 100 : i32
    %scan3A_56 = arith.addi %scan3A_54, %scan3A_55 : i32
    %scan3A_57 = arith.constant 1 : i32
    %scan3A_58 = scf.for %scan3A_173 = %scan3A_54 to %scan3A_56 step %scan3A_57 iter_args(%scan3A_174 = %scan3A_53) -> (i32)  : i32 {
      %add3A_175 = arith.constant 3 : i32
      %add3A_176 = arith.addi %scan3A_173, %add3A_175 : i32
      %rem3A = arith.constant 6 : i32
      %rem3A_177 = arith.remsi %add3A_176, %rem3A : i32
      %lt3A = arith.constant 100 : i32
      %lt3A_178 = arith.cmpi slt, %add3A_176, %lt3A : i32
      %convert_element_type3A = arith.extui %lt3A_178 : i1 to i32
      %cond3A = arith.constant 0 : i32
      %cond3A_179 = arith.cmpi ne, %convert_element_type3A, %cond3A : i32
      scf.if %cond3A_179 {
        %ge3A = arith.constant 6 : i32
        %ge3A_211 = arith.cmpi sge, %add3A_176, %ge3A : i32
        %convert_element_type3A_212 = arith.extui %ge3A_211 : i1 to i32
        %cond3A_213 = arith.constant 0 : i32
        %cond3A_214 = arith.cmpi ne, %convert_element_type3A_212, %cond3A_213 : i32
        scf.if %cond3A_214 {
          %sub3A = arith.constant 6 : i32
          %sub3A_227 = arith.subi %add3A_176, %sub3A : i32
          %dma_wait3A_228 = arith.constant 0 : i32
          %dma_wait3A_229 = arith.constant 0 : i32
          %dma_wait3A_230 = tpu.memref_slice %arg6[%rem3A_177, %dma_wait3A_228, %dma_wait3A_229] : memref<6x128x128xf32, #tpu.memory_space<vmem>> -> memref<1x128x128xf32, #tpu.memory_space<vmem>>
          %dma_wait3A_231 = tpu.memref_squeeze %dma_wait3A_230 : memref<1x128x128xf32, #tpu.memory_space<vmem>> -> memref<128x128xf32, #tpu.memory_space<vmem>>
          %dma_wait3A_232 = arith.constant 0 : i32
          %dma_wait3A_233 = tpu.memref_slice %arg4[%sub3A_227, %mul3A_2, %dma_wait3A_232] : memref<100x4096x128xf32, #tpu.memory_space<hbm>> -> memref<1x128x128xf32, #tpu.memory_space<hbm>>
          %dma_wait3A_234 = tpu.memref_squeeze %dma_wait3A_233 : memref<1x128x128xf32, #tpu.memory_space<hbm>> -> memref<128x128xf32, #tpu.memory_space<hbm>>
          %dma_wait3A_235 = tpu.memref_slice %arg8[%rem3A_177] : memref<6x!tpu.dma_semaphore, #tpu.memory_space<semaphore_mem>> -> memref<1x!tpu.dma_semaphore, #tpu.memory_space<semaphore_mem>>
          %dma_wait3A_236 = tpu.memref_squeeze %dma_wait3A_235 : memref<1x!tpu.dma_semaphore, #tpu.memory_space<semaphore_mem>> -> memref<!tpu.dma_semaphore, #tpu.memory_space<semaphore_mem>>
          %dma_wait3A_237 = arith.constant 0 : i32
          %dma_wait3A_238 = tpu.memref_slice %arg4[%sub3A_227, %mul3A_2, %dma_wait3A_237] : memref<100x4096x128xf32, #tpu.memory_space<hbm>> -> memref<1x128x128xf32, #tpu.memory_space<hbm>>
          %dma_wait3A_239 = tpu.memref_squeeze %dma_wait3A_238 : memref<1x128x128xf32, #tpu.memory_space<hbm>> -> memref<128x128xf32, #tpu.memory_space<hbm>>
          %dma_wait3A_240 = arith.constant 0 : i32
          %dma_wait3A_241 = arith.constant 0 : i32
          %dma_wait3A_242 = tpu.memref_slice %arg6[%rem3A_177, %dma_wait3A_240, %dma_wait3A_241] : memref<6x128x128xf32, #tpu.memory_space<vmem>> -> memref<1x128x128xf32, #tpu.memory_space<vmem>>
          %dma_wait3A_243 = tpu.memref_squeeze %dma_wait3A_242 : memref<1x128x128xf32, #tpu.memory_space<vmem>> -> memref<128x128xf32, #tpu.memory_space<vmem>>
          tpu.wait_dma2 semaphore(%dma_wait3A_236 : memref<!tpu.dma_semaphore, #tpu.memory_space<semaphore_mem>>) src(%dma_wait3A_243 : memref<128x128xf32, #tpu.memory_space<vmem>>) dst(%dma_wait3A_239 : memref<128x128xf32, #tpu.memory_space<hbm>>)
        } else {
        }
        %dma_start3A_215 = arith.constant 0 : i32
        %dma_start3A_216 = arith.constant 0 : i32
        %dma_start3A_217 = tpu.memref_slice %arg6[%rem3A_177, %dma_start3A_215, %dma_start3A_216] : memref<6x128x128xf32, #tpu.memory_space<vmem>> -> memref<1x128x128xf32, #tpu.memory_space<vmem>>
        %dma_start3A_218 = tpu.memref_squeeze %dma_start3A_217 : memref<1x128x128xf32, #tpu.memory_space<vmem>> -> memref<128x128xf32, #tpu.memory_space<vmem>>
        %dma_start3A_219 = arith.constant 0 : i32
        %dma_start3A_220 = tpu.memref_slice %arg5[%add3A_176, %dma_start3A_219] : memref<100x128xi32, #tpu.memory_space<vmem>> -> memref<1x128xi32, #tpu.memory_space<vmem>>
        %dma_start3A_221 = tpu.memref_squeeze %dma_start3A_220 : memref<1x128xi32, #tpu.memory_space<vmem>> -> memref<128xi32, #tpu.memory_space<vmem>>
        %dma_start3A_222 = arith.constant 0 : i32
        %dma_start3A_223 = arith.constant 0 : i32
        %dma_start3A_224 = tpu.memref_slice %arg3[%dma_start3A_222, %dma_start3A_223] : memref<100001x128xf32, #tpu.memory_space<hbm>> -> memref<100001x128xf32, #tpu.memory_space<hbm>>
        %dma_start3A_225 = tpu.memref_slice %arg7[%rem3A_177] : memref<6x!tpu.dma_semaphore, #tpu.memory_space<semaphore_mem>> -> memref<1x!tpu.dma_semaphore, #tpu.memory_space<semaphore_mem>>
        %dma_start3A_226 = tpu.memref_squeeze %dma_start3A_225 : memref<1x!tpu.dma_semaphore, #tpu.memory_space<semaphore_mem>> -> memref<!tpu.dma_semaphore, #tpu.memory_space<semaphore_mem>>
        tpu.enqueue_indirect_dma source(%dma_start3A_224 : memref<100001x128xf32, #tpu.memory_space<hbm>>) target(%dma_start3A_218 : memref<128x128xf32, #tpu.memory_space<vmem>>) offsets(%dma_start3A_221 : memref<128xi32, #tpu.memory_space<vmem>>) semaphore(%dma_start3A_226 : memref<!tpu.dma_semaphore, #tpu.memory_space<semaphore_mem>>)
      } else {
      }
      %rem3A_180 = arith.constant 6 : i32
      %rem3A_181 = arith.remsi %scan3A_173, %rem3A_180 : i32
      %dma_wait3A_182 = arith.constant 0 : i32
      %dma_wait3A_183 = arith.constant 0 : i32
      %dma_wait3A_184 = tpu.memref_slice %arg6[%rem3A_181, %dma_wait3A_182, %dma_wait3A_183] : memref<6x128x128xf32, #tpu.memory_space<vmem>> -> memref<1x128x128xf32, #tpu.memory_space<vmem>>
      %dma_wait3A_185 = tpu.memref_squeeze %dma_wait3A_184 : memref<1x128x128xf32, #tpu.memory_space<vmem>> -> memref<128x128xf32, #tpu.memory_space<vmem>>
      %dma_wait3A_186 = arith.constant 0 : i32
      %dma_wait3A_187 = tpu.memref_slice %arg5[%scan3A_173, %dma_wait3A_186] : memref<100x128xi32, #tpu.memory_space<vmem>> -> memref<1x128xi32, #tpu.memory_space<vmem>>
      %dma_wait3A_188 = tpu.memref_squeeze %dma_wait3A_187 : memref<1x128xi32, #tpu.memory_space<vmem>> -> memref<128xi32, #tpu.memory_space<vmem>>
      %dma_wait3A_189 = arith.constant 0 : i32
      %dma_wait3A_190 = arith.constant 0 : i32
      %dma_wait3A_191 = tpu.memref_slice %arg3[%dma_wait3A_189, %dma_wait3A_190] : memref<100001x128xf32, #tpu.memory_space<hbm>> -> memref<100001x128xf32, #tpu.memory_space<hbm>>
      %dma_wait3A_192 = tpu.memref_slice %arg7[%rem3A_181] : memref<6x!tpu.dma_semaphore, #tpu.memory_space<semaphore_mem>> -> memref<1x!tpu.dma_semaphore, #tpu.memory_space<semaphore_mem>>
      %dma_wait3A_193 = tpu.memref_squeeze %dma_wait3A_192 : memref<1x!tpu.dma_semaphore, #tpu.memory_space<semaphore_mem>> -> memref<!tpu.dma_semaphore, #tpu.memory_space<semaphore_mem>>
      tpu.wait_indirect_dma semaphore(%dma_wait3A_193 : memref<!tpu.dma_semaphore, #tpu.memory_space<semaphore_mem>>) src(%dma_wait3A_191 : memref<100001x128xf32, #tpu.memory_space<hbm>>) dst(%dma_wait3A_185 : memref<128x128xf32, #tpu.memory_space<vmem>>)
      %dma_start3A_194 = arith.constant 0 : i32
      %dma_start3A_195 = arith.constant 0 : i32
      %dma_start3A_196 = tpu.memref_slice %arg6[%rem3A_181, %dma_start3A_194, %dma_start3A_195] : memref<6x128x128xf32, #tpu.memory_space<vmem>> -> memref<1x128x128xf32, #tpu.memory_space<vmem>>
      %dma_start3A_197 = tpu.memref_squeeze %dma_start3A_196 : memref<1x128x128xf32, #tpu.memory_space<vmem>> -> memref<128x128xf32, #tpu.memory_space<vmem>>
      %dma_start3A_198 = arith.constant 0 : i32
      %dma_start3A_199 = tpu.memref_slice %arg4[%scan3A_173, %mul3A_2, %dma_start3A_198] : memref<100x4096x128xf32, #tpu.memory_space<hbm>> -> memref<1x128x128xf32, #tpu.memory_space<hbm>>
      %dma_start3A_200 = tpu.memref_squeeze %dma_start3A_199 : memref<1x128x128xf32, #tpu.memory_space<hbm>> -> memref<128x128xf32, #tpu.memory_space<hbm>>
      %dma_start3A_201 = tpu.memref_slice %arg8[%rem3A_181] : memref<6x!tpu.dma_semaphore, #tpu.memory_space<semaphore_mem>> -> memref<1x!tpu.dma_semaphore, #tpu.memory_space<semaphore_mem>>
      %dma_start3A_202 = tpu.memref_squeeze %dma_start3A_201 : memref<1x!tpu.dma_semaphore, #tpu.memory_space<semaphore_mem>> -> memref<!tpu.dma_semaphore, #tpu.memory_space<semaphore_mem>>
      %dma_start3A_203 = arith.constant 0 : i32
      %dma_start3A_204 = tpu.memref_slice %arg4[%scan3A_173, %mul3A_2, %dma_start3A_203] : memref<100x4096x128xf32, #tpu.memory_space<hbm>> -> memref<1x128x128xf32, #tpu.memory_space<hbm>>
      %dma_start3A_205 = tpu.memref_squeeze %dma_start3A_204 : memref<1x128x128xf32, #tpu.memory_space<hbm>> -> memref<128x128xf32, #tpu.memory_space<hbm>>
      %dma_start3A_206 = arith.constant 0 : i32
      %dma_start3A_207 = arith.constant 0 : i32
      %dma_start3A_208 = tpu.memref_slice %arg6[%rem3A_181, %dma_start3A_206, %dma_start3A_207] : memref<6x128x128xf32, #tpu.memory_space<vmem>> -> memref<1x128x128xf32, #tpu.memory_space<vmem>>
      %dma_start3A_209 = tpu.memref_squeeze %dma_start3A_208 : memref<1x128x128xf32, #tpu.memory_space<vmem>> -> memref<128x128xf32, #tpu.memory_space<vmem>>
      tpu.enqueue_dma source(%dma_start3A_209 : memref<128x128xf32, #tpu.memory_space<vmem>>) target(%dma_start3A_205 : memref<128x128xf32, #tpu.memory_space<hbm>>) target_semaphore(%dma_start3A_202 : memref<!tpu.dma_semaphore, #tpu.memory_space<semaphore_mem>>)
      %scan3A_210 = arith.constant 0 : i32
      scf.yield %scan3A_210 : i32
    }
    %scan3A_59 = arith.constant 100 : i32
    %dma_wait3A = arith.constant 4 : i32
    %dma_wait3A_60 = arith.constant 94 : i32
    %dma_wait3A_61 = arith.constant 4 : i32
    %dma_wait3A_62 = arith.constant 0 : i32
    %dma_wait3A_63 = arith.constant 0 : i32
    %dma_wait3A_64 = tpu.memref_slice %arg6[%dma_wait3A, %dma_wait3A_62, %dma_wait3A_63] : memref<6x128x128xf32, #tpu.memory_space<vmem>> -> memref<1x128x128xf32, #tpu.memory_space<vmem>>
    %dma_wait3A_65 = tpu.memref_squeeze %dma_wait3A_64 : memref<1x128x128xf32, #tpu.memory_space<vmem>> -> memref<128x128xf32, #tpu.memory_space<vmem>>
    %dma_wait3A_66 = arith.constant 0 : i32
    %dma_wait3A_67 = tpu.memref_slice %arg4[%dma_wait3A_60, %mul3A_2, %dma_wait3A_66] : memref<100x4096x128xf32, #tpu.memory_space<hbm>> -> memref<1x128x128xf32, #tpu.memory_space<hbm>>
    %dma_wait3A_68 = tpu.memref_squeeze %dma_wait3A_67 : memref<1x128x128xf32, #tpu.memory_space<hbm>> -> memref<128x128xf32, #tpu.memory_space<hbm>>
    %dma_wait3A_69 = tpu.memref_slice %arg8[%dma_wait3A_61] : memref<6x!tpu.dma_semaphore, #tpu.memory_space<semaphore_mem>> -> memref<1x!tpu.dma_semaphore, #tpu.memory_space<semaphore_mem>>
    %dma_wait3A_70 = tpu.memref_squeeze %dma_wait3A_69 : memref<1x!tpu.dma_semaphore, #tpu.memory_space<semaphore_mem>> -> memref<!tpu.dma_semaphore, #tpu.memory_space<semaphore_mem>>
    %dma_wait3A_71 = arith.constant 0 : i32
    %dma_wait3A_72 = tpu.memref_slice %arg4[%dma_wait3A_60, %mul3A_2, %dma_wait3A_71] : memref<100x4096x128xf32, #tpu.memory_space<hbm>> -> memref<1x128x128xf32, #tpu.memory_space<hbm>>
    %dma_wait3A_73 = tpu.memref_squeeze %dma_wait3A_72 : memref<1x128x128xf32, #tpu.memory_space<hbm>> -> memref<128x128xf32, #tpu.memory_space<hbm>>
    %dma_wait3A_74 = arith.constant 0 : i32
    %dma_wait3A_75 = arith.constant 0 : i32
    %dma_wait3A_76 = tpu.memref_slice %arg6[%dma_wait3A, %dma_wait3A_74, %dma_wait3A_75] : memref<6x128x128xf32, #tpu.memory_space<vmem>> -> memref<1x128x128xf32, #tpu.memory_space<vmem>>
    %dma_wait3A_77 = tpu.memref_squeeze %dma_wait3A_76 : memref<1x128x128xf32, #tpu.memory_space<vmem>> -> memref<128x128xf32, #tpu.memory_space<vmem>>
    tpu.wait_dma2 semaphore(%dma_wait3A_70 : memref<!tpu.dma_semaphore, #tpu.memory_space<semaphore_mem>>) src(%dma_wait3A_77 : memref<128x128xf32, #tpu.memory_space<vmem>>) dst(%dma_wait3A_73 : memref<128x128xf32, #tpu.memory_space<hbm>>)
    %dma_wait3A_78 = arith.constant 5 : i32
    %dma_wait3A_79 = arith.constant 95 : i32
    %dma_wait3A_80 = arith.constant 5 : i32
    %dma_wait3A_81 = arith.constant 0 : i32
    %dma_wait3A_82 = arith.constant 0 : i32
    %dma_wait3A_83 = tpu.memref_slice %arg6[%dma_wait3A_78, %dma_wait3A_81, %dma_wait3A_82] : memref<6x128x128xf32, #tpu.memory_space<vmem>> -> memref<1x128x128xf32, #tpu.memory_space<vmem>>
    %dma_wait3A_84 = tpu.memref_squeeze %dma_wait3A_83 : memref<1x128x128xf32, #tpu.memory_space<vmem>> -> memref<128x128xf32, #tpu.memory_space<vmem>>
    %dma_wait3A_85 = arith.constant 0 : i32
    %dma_wait3A_86 = tpu.memref_slice %arg4[%dma_wait3A_79, %mul3A_2, %dma_wait3A_85] : memref<100x4096x128xf32, #tpu.memory_space<hbm>> -> memref<1x128x128xf32, #tpu.memory_space<hbm>>
    %dma_wait3A_87 = tpu.memref_squeeze %dma_wait3A_86 : memref<1x128x128xf32, #tpu.memory_space<hbm>> -> memref<128x128xf32, #tpu.memory_space<hbm>>
    %dma_wait3A_88 = tpu.memref_slice %arg8[%dma_wait3A_80] : memref<6x!tpu.dma_semaphore, #tpu.memory_space<semaphore_mem>> -> memref<1x!tpu.dma_semaphore, #tpu.memory_space<semaphore_mem>>
    %dma_wait3A_89 = tpu.memref_squeeze %dma_wait3A_88 : memref<1x!tpu.dma_semaphore, #tpu.memory_space<semaphore_mem>> -> memref<!tpu.dma_semaphore, #tpu.memory_space<semaphore_mem>>
    %dma_wait3A_90 = arith.constant 0 : i32
    %dma_wait3A_91 = tpu.memref_slice %arg4[%dma_wait3A_79, %mul3A_2, %dma_wait3A_90] : memref<100x4096x128xf32, #tpu.memory_space<hbm>> -> memref<1x128x128xf32, #tpu.memory_space<hbm>>
    %dma_wait3A_92 = tpu.memref_squeeze %dma_wait3A_91 : memref<1x128x128xf32, #tpu.memory_space<hbm>> -> memref<128x128xf32, #tpu.memory_space<hbm>>
    %dma_wait3A_93 = arith.constant 0 : i32
    %dma_wait3A_94 = arith.constant 0 : i32
    %dma_wait3A_95 = tpu.memref_slice %arg6[%dma_wait3A_78, %dma_wait3A_93, %dma_wait3A_94] : memref<6x128x128xf32, #tpu.memory_space<vmem>> -> memref<1x128x128xf32, #tpu.memory_space<vmem>>
    %dma_wait3A_96 = tpu.memref_squeeze %dma_wait3A_95 : memref<1x128x128xf32, #tpu.memory_space<vmem>> -> memref<128x128xf32, #tpu.memory_space<vmem>>
    tpu.wait_dma2 semaphore(%dma_wait3A_89 : memref<!tpu.dma_semaphore, #tpu.memory_space<semaphore_mem>>) src(%dma_wait3A_96 : memref<128x128xf32, #tpu.memory_space<vmem>>) dst(%dma_wait3A_92 : memref<128x128xf32, #tpu.memory_space<hbm>>)
    %dma_wait3A_97 = arith.constant 0 : i32
    %dma_wait3A_98 = arith.constant 96 : i32
    %dma_wait3A_99 = arith.constant 0 : i32
    %dma_wait3A_100 = arith.constant 0 : i32
    %dma_wait3A_101 = arith.constant 0 : i32
    %dma_wait3A_102 = tpu.memref_slice %arg6[%dma_wait3A_97, %dma_wait3A_100, %dma_wait3A_101] : memref<6x128x128xf32, #tpu.memory_space<vmem>> -> memref<1x128x128xf32, #tpu.memory_space<vmem>>
    %dma_wait3A_103 = tpu.memref_squeeze %dma_wait3A_102 : memref<1x128x128xf32, #tpu.memory_space<vmem>> -> memref<128x128xf32, #tpu.memory_space<vmem>>
    %dma_wait3A_104 = arith.constant 0 : i32
    %dma_wait3A_105 = tpu.memref_slice %arg4[%dma_wait3A_98, %mul3A_2, %dma_wait3A_104] : memref<100x4096x128xf32, #tpu.memory_space<hbm>> -> memref<1x128x128xf32, #tpu.memory_space<hbm>>
    %dma_wait3A_106 = tpu.memref_squeeze %dma_wait3A_105 : memref<1x128x128xf32, #tpu.memory_space<hbm>> -> memref<128x128xf32, #tpu.memory_space<hbm>>
    %dma_wait3A_107 = tpu.memref_slice %arg8[%dma_wait3A_99] : memref<6x!tpu.dma_semaphore, #tpu.memory_space<semaphore_mem>> -> memref<1x!tpu.dma_semaphore, #tpu.memory_space<semaphore_mem>>
    %dma_wait3A_108 = tpu.memref_squeeze %dma_wait3A_107 : memref<1x!tpu.dma_semaphore, #tpu.memory_space<semaphore_mem>> -> memref<!tpu.dma_semaphore, #tpu.memory_space<semaphore_mem>>
    %dma_wait3A_109 = arith.constant 0 : i32
    %dma_wait3A_110 = tpu.memref_slice %arg4[%dma_wait3A_98, %mul3A_2, %dma_wait3A_109] : memref<100x4096x128xf32, #tpu.memory_space<hbm>> -> memref<1x128x128xf32, #tpu.memory_space<hbm>>
    %dma_wait3A_111 = tpu.memref_squeeze %dma_wait3A_110 : memref<1x128x128xf32, #tpu.memory_space<hbm>> -> memref<128x128xf32, #tpu.memory_space<hbm>>
    %dma_wait3A_112 = arith.constant 0 : i32
    %dma_wait3A_113 = arith.constant 0 : i32
    %dma_wait3A_114 = tpu.memref_slice %arg6[%dma_wait3A_97, %dma_wait3A_112, %dma_wait3A_113] : memref<6x128x128xf32, #tpu.memory_space<vmem>> -> memref<1x128x128xf32, #tpu.memory_space<vmem>>
    %dma_wait3A_115 = tpu.memref_squeeze %dma_wait3A_114 : memref<1x128x128xf32, #tpu.memory_space<vmem>> -> memref<128x128xf32, #tpu.memory_space<vmem>>
    tpu.wait_dma2 semaphore(%dma_wait3A_108 : memref<!tpu.dma_semaphore, #tpu.memory_space<semaphore_mem>>) src(%dma_wait3A_115 : memref<128x128xf32, #tpu.memory_space<vmem>>) dst(%dma_wait3A_111 : memref<128x128xf32, #tpu.memory_space<hbm>>)
    %dma_wait3A_116 = arith.constant 1 : i32
    %dma_wait3A_117 = arith.constant 97 : i32
    %dma_wait3A_118 = arith.constant 1 : i32
    %dma_wait3A_119 = arith.constant 0 : i32
    %dma_wait3A_120 = arith.constant 0 : i32
    %dma_wait3A_121 = tpu.memref_slice %arg6[%dma_wait3A_116, %dma_wait3A_119, %dma_wait3A_120] : memref<6x128x128xf32, #tpu.memory_space<vmem>> -> memref<1x128x128xf32, #tpu.memory_space<vmem>>
    %dma_wait3A_122 = tpu.memref_squeeze %dma_wait3A_121 : memref<1x128x128xf32, #tpu.memory_space<vmem>> -> memref<128x128xf32, #tpu.memory_space<vmem>>
    %dma_wait3A_123 = arith.constant 0 : i32
    %dma_wait3A_124 = tpu.memref_slice %arg4[%dma_wait3A_117, %mul3A_2, %dma_wait3A_123] : memref<100x4096x128xf32, #tpu.memory_space<hbm>> -> memref<1x128x128xf32, #tpu.memory_space<hbm>>
    %dma_wait3A_125 = tpu.memref_squeeze %dma_wait3A_124 : memref<1x128x128xf32, #tpu.memory_space<hbm>> -> memref<128x128xf32, #tpu.memory_space<hbm>>
    %dma_wait3A_126 = tpu.memref_slice %arg8[%dma_wait3A_118] : memref<6x!tpu.dma_semaphore, #tpu.memory_space<semaphore_mem>> -> memref<1x!tpu.dma_semaphore, #tpu.memory_space<semaphore_mem>>
    %dma_wait3A_127 = tpu.memref_squeeze %dma_wait3A_126 : memref<1x!tpu.dma_semaphore, #tpu.memory_space<semaphore_mem>> -> memref<!tpu.dma_semaphore, #tpu.memory_space<semaphore_mem>>
    %dma_wait3A_128 = arith.constant 0 : i32
    %dma_wait3A_129 = tpu.memref_slice %arg4[%dma_wait3A_117, %mul3A_2, %dma_wait3A_128] : memref<100x4096x128xf32, #tpu.memory_space<hbm>> -> memref<1x128x128xf32, #tpu.memory_space<hbm>>
    %dma_wait3A_130 = tpu.memref_squeeze %dma_wait3A_129 : memref<1x128x128xf32, #tpu.memory_space<hbm>> -> memref<128x128xf32, #tpu.memory_space<hbm>>
    %dma_wait3A_131 = arith.constant 0 : i32
    %dma_wait3A_132 = arith.constant 0 : i32
    %dma_wait3A_133 = tpu.memref_slice %arg6[%dma_wait3A_116, %dma_wait3A_131, %dma_wait3A_132] : memref<6x128x128xf32, #tpu.memory_space<vmem>> -> memref<1x128x128xf32, #tpu.memory_space<vmem>>
    %dma_wait3A_134 = tpu.memref_squeeze %dma_wait3A_133 : memref<1x128x128xf32, #tpu.memory_space<vmem>> -> memref<128x128xf32, #tpu.memory_space<vmem>>
    tpu.wait_dma2 semaphore(%dma_wait3A_127 : memref<!tpu.dma_semaphore, #tpu.memory_space<semaphore_mem>>) src(%dma_wait3A_134 : memref<128x128xf32, #tpu.memory_space<vmem>>) dst(%dma_wait3A_130 : memref<128x128xf32, #tpu.memory_space<hbm>>)
    %dma_wait3A_135 = arith.constant 2 : i32
    %dma_wait3A_136 = arith.constant 98 : i32
    %dma_wait3A_137 = arith.constant 2 : i32
    %dma_wait3A_138 = arith.constant 0 : i32
    %dma_wait3A_139 = arith.constant 0 : i32
    %dma_wait3A_140 = tpu.memref_slice %arg6[%dma_wait3A_135, %dma_wait3A_138, %dma_wait3A_139] : memref<6x128x128xf32, #tpu.memory_space<vmem>> -> memref<1x128x128xf32, #tpu.memory_space<vmem>>
    %dma_wait3A_141 = tpu.memref_squeeze %dma_wait3A_140 : memref<1x128x128xf32, #tpu.memory_space<vmem>> -> memref<128x128xf32, #tpu.memory_space<vmem>>
    %dma_wait3A_142 = arith.constant 0 : i32
    %dma_wait3A_143 = tpu.memref_slice %arg4[%dma_wait3A_136, %mul3A_2, %dma_wait3A_142] : memref<100x4096x128xf32, #tpu.memory_space<hbm>> -> memref<1x128x128xf32, #tpu.memory_space<hbm>>
    %dma_wait3A_144 = tpu.memref_squeeze %dma_wait3A_143 : memref<1x128x128xf32, #tpu.memory_space<hbm>> -> memref<128x128xf32, #tpu.memory_space<hbm>>
    %dma_wait3A_145 = tpu.memref_slice %arg8[%dma_wait3A_137] : memref<6x!tpu.dma_semaphore, #tpu.memory_space<semaphore_mem>> -> memref<1x!tpu.dma_semaphore, #tpu.memory_space<semaphore_mem>>
    %dma_wait3A_146 = tpu.memref_squeeze %dma_wait3A_145 : memref<1x!tpu.dma_semaphore, #tpu.memory_space<semaphore_mem>> -> memref<!tpu.dma_semaphore, #tpu.memory_space<semaphore_mem>>
    %dma_wait3A_147 = arith.constant 0 : i32
    %dma_wait3A_148 = tpu.memref_slice %arg4[%dma_wait3A_136, %mul3A_2, %dma_wait3A_147] : memref<100x4096x128xf32, #tpu.memory_space<hbm>> -> memref<1x128x128xf32, #tpu.memory_space<hbm>>
    %dma_wait3A_149 = tpu.memref_squeeze %dma_wait3A_148 : memref<1x128x128xf32, #tpu.memory_space<hbm>> -> memref<128x128xf32, #tpu.memory_space<hbm>>
    %dma_wait3A_150 = arith.constant 0 : i32
    %dma_wait3A_151 = arith.constant 0 : i32
    %dma_wait3A_152 = tpu.memref_slice %arg6[%dma_wait3A_135, %dma_wait3A_150, %dma_wait3A_151] : memref<6x128x128xf32, #tpu.memory_space<vmem>> -> memref<1x128x128xf32, #tpu.memory_space<vmem>>
    %dma_wait3A_153 = tpu.memref_squeeze %dma_wait3A_152 : memref<1x128x128xf32, #tpu.memory_space<vmem>> -> memref<128x128xf32, #tpu.memory_space<vmem>>
    tpu.wait_dma2 semaphore(%dma_wait3A_146 : memref<!tpu.dma_semaphore, #tpu.memory_space<semaphore_mem>>) src(%dma_wait3A_153 : memref<128x128xf32, #tpu.memory_space<vmem>>) dst(%dma_wait3A_149 : memref<128x128xf32, #tpu.memory_space<hbm>>)
    %dma_wait3A_154 = arith.constant 3 : i32
    %dma_wait3A_155 = arith.constant 99 : i32
    %dma_wait3A_156 = arith.constant 3 : i32
    %dma_wait3A_157 = arith.constant 0 : i32
    %dma_wait3A_158 = arith.constant 0 : i32
    %dma_wait3A_159 = tpu.memref_slice %arg6[%dma_wait3A_154, %dma_wait3A_157, %dma_wait3A_158] : memref<6x128x128xf32, #tpu.memory_space<vmem>> -> memref<1x128x128xf32, #tpu.memory_space<vmem>>
    %dma_wait3A_160 = tpu.memref_squeeze %dma_wait3A_159 : memref<1x128x128xf32, #tpu.memory_space<vmem>> -> memref<128x128xf32, #tpu.memory_space<vmem>>
    %dma_wait3A_161 = arith.constant 0 : i32
    %dma_wait3A_162 = tpu.memref_slice %arg4[%dma_wait3A_155, %mul3A_2, %dma_wait3A_161] : memref<100x4096x128xf32, #tpu.memory_space<hbm>> -> memref<1x128x128xf32, #tpu.memory_space<hbm>>
    %dma_wait3A_163 = tpu.memref_squeeze %dma_wait3A_162 : memref<1x128x128xf32, #tpu.memory_space<hbm>> -> memref<128x128xf32, #tpu.memory_space<hbm>>
    %dma_wait3A_164 = tpu.memref_slice %arg8[%dma_wait3A_156] : memref<6x!tpu.dma_semaphore, #tpu.memory_space<semaphore_mem>> -> memref<1x!tpu.dma_semaphore, #tpu.memory_space<semaphore_mem>>
    %dma_wait3A_165 = tpu.memref_squeeze %dma_wait3A_164 : memref<1x!tpu.dma_semaphore, #tpu.memory_space<semaphore_mem>> -> memref<!tpu.dma_semaphore, #tpu.memory_space<semaphore_mem>>
    %dma_wait3A_166 = arith.constant 0 : i32
    %dma_wait3A_167 = tpu.memref_slice %arg4[%dma_wait3A_155, %mul3A_2, %dma_wait3A_166] : memref<100x4096x128xf32, #tpu.memory_space<hbm>> -> memref<1x128x128xf32, #tpu.memory_space<hbm>>
    %dma_wait3A_168 = tpu.memref_squeeze %dma_wait3A_167 : memref<1x128x128xf32, #tpu.memory_space<hbm>> -> memref<128x128xf32, #tpu.memory_space<hbm>>
    %dma_wait3A_169 = arith.constant 0 : i32
    %dma_wait3A_170 = arith.constant 0 : i32
    %dma_wait3A_171 = tpu.memref_slice %arg6[%dma_wait3A_154, %dma_wait3A_169, %dma_wait3A_170] : memref<6x128x128xf32, #tpu.memory_space<vmem>> -> memref<1x128x128xf32, #tpu.memory_space<vmem>>
    %dma_wait3A_172 = tpu.memref_squeeze %dma_wait3A_171 : memref<1x128x128xf32, #tpu.memory_space<vmem>> -> memref<128x128xf32, #tpu.memory_space<vmem>>
    tpu.wait_dma2 semaphore(%dma_wait3A_165 : memref<!tpu.dma_semaphore, #tpu.memory_space<semaphore_mem>>) src(%dma_wait3A_172 : memref<128x128xf32, #tpu.memory_space<vmem>>) dst(%dma_wait3A_168 : memref<128x128xf32, #tpu.memory_space<hbm>>)
    return
  }
}

</mosaic_0001>

<sc_bundles>
// kernel: _emb.3.cloned.1.call-start
scs
__scs_entry_jumppad:
0x0: {  	(pc) =	sbr.rel $0x88, $3  }
0x1: {  	(tag) =	ssettag $0x0;
	lr =	simm.s32 $0x1  }
0x2: {  	[smem:$0x3F9F] =	sst lr;
	_ =	strace $0xD0000000  }
0x3: {  	_ = 	snop  }
0x4: {  	_ = 	snop  }
0x5: {  	_ = 	snop  }
0x6: {  	_ = 	snop  }
0x7: {  	_ = 	snop  }
__scs_overlays_trampoline_lowered:
0x8: {  	[smem:$0x3FAE] =	sst s0  }
0x9: {  	[smem:$0x3FAF] =	sst s1  }
0xa: {  	[smem:$0x3FB0] =	sst s2  }
0xb: {  	[smem:$0x3FB1] =	sst s3  }
0xc: {  	[smem:$0x3FB2] =	sst s4  }
0xd: {  	[smem:$0x3FB3] =	sst s5  }
0xe: {  	[smem:$0x3FB4] =	sst s6  }
0xf: {  	[smem:$0x3FB5] =	sst s7  }
0x10: {  	[smem:$0x3FB6] =	sst s8  }
0x11: {  	[smem:$0x3FB7] =	sst s9;
	s0 =	simm.s32 @!p0 $0x0  }
0x12: {  	s1 =	sld [smem:$0x3F9D];
	s0 =	simm.s32 @p0 $0x1  }
0x13: {  	[smem:$0x3FB8] =	sst s0;
	s0 =	simm.s32 @!p1 $0x0  }
0x14: {  	s2 =	sld [smem:$0x3F9C];
	s0 =	simm.s32 @p1 $0x1  }
0x15: {  	[smem:$0x3FB9] =	sst s0;
	s0 =	simm.s32 @!p2 $0x0  }
0x16: {  	s3 =	sld [smem:$0x3FDB];
	s0 =	simm.s32 @p2 $0x1  }
0x17: {  	s4 =	simm.s32 $0x1BF5;
	[smem:$0x3FBB] =	sst s0  }
0x18: {  	s0 =	sld [smem:$0x3F9E];
	_ =	swait.ge [sflag:s4], $0x0  }
0x19: {  	s7 =	sld [smem:$0x3F9F]  }
0x1a: {  	s8 =	sadd.s32 $0xFFFFE003, lr  }
0x1b: {  	s9 =	sadd.s32 $0xFFFFFEF7, lr;
	s5 =	simm.s32 $0xFFFFFFFF;
	p2 =	slt.u32 s8, $0xFFFFF086  }
0x1c: {  	p1 =	slt.u32 s9, $0xF7A;
	s5 =	simm.s32 @!p2 $0x0  }
0x1d: {  	s5 =	simm.s32 @p1 $0x1;
	p0 =	seq.s32 s7, s2  }
0x1e: {  	s7 =	smul.u32 @!p0 $0xF7A, s2;
	p2 =	seq.s32 @!p0 s5, $0x0  }
0x1f: {  	s9 =	smul.u32 $0xF7A, s1;
	s8 =	simm.s32 @!p0 $0x1BF5;
	p2 =	por !p2, p0  }
0x20: {  	[sflag:s8] =	ssyncset.s32 @!p0 $0xFFFFF086;
	s6 =	sadd.s32 @!p0 s3, s7;
	s7 =	simm.s32 @!p0 $0x108  }
0x21: {  	s3 =	sadd.s32 s3, s9;
	s6 =	sadd.s32 @!p0 $0x88, s6;
	s7 =	simm.s32 @p2 $0x1082  }
0x22: {  	[simem:s7], [sflag:s8] =	dma.local @!p0 [hbm:s6], $0xF7A  }
0x23: {  	s9 =	sor.u32 $0xD0000000, s2;
	s6 =	simm.s32 $0x108;
	_ =	swait.ge @!p0 [sflag:s8], $0x0  }
0x24: {  	s3 =	sadd.s32 $0x88, s3;
	s6 =	simm.s32 @!p1 $0x1082;
	[sflag:s4] =	ssyncset.s32 $0xFFFFF086  }
0x25: {  	[simem:s6], [sflag:s4] =	dma.local [hbm:s3], $0xF7A  }
0x26: {  	[smem:$0x3F9F] =	sst s1;
	(tag) =	ssettag s2;
	_ =	strace s9  }
0x27: {  	s1 =	sld [smem:$0x3FAF]  }
0x28: {  	s2 =	sld [smem:$0x3FB0]  }
0x29: {  	s4 =	sld [smem:$0x3FB2]  }
0x2a: {  	p0 =	seq.s32 s5, $0x0;
	s5 =	sld [smem:$0x3FB3]  }
0x2b: {  	s6 =	sld [smem:$0x3FB4]  }
0x2c: {  	s7 =	sld [smem:$0x3FB5]  }
0x2d: {  	s3 =	simm.s32 $0x108;
	s8 =	sld [smem:$0x3FB6]  }
0x2e: {  	s3 =	simm.s32 @!p0 $0x1082;
	s9 =	sld [smem:$0x3FB7]  }
0x2f: {  	lr =	sadd.s32 s0, s3;
	s0 =	sld [smem:$0x3FAE]  }
0x30: {  	s3 =	sld [smem:$0x3FB1]  }
0x31: {  	[smem:$0x3FBA] =	sst s10  }
0x32: {  	s10 =	sld [smem:$0x3FB8];
	_ =	sdelay $0x3  }
0x33: {  	p0 =	seq.s32 s10, $0x1;
	s10 =	sld [smem:$0x3FBA];
	_ =	sdelay $0x3  }
0x34: {  	[smem:$0x3FBA] =	sst s10  }
0x35: {  	s10 =	sld [smem:$0x3FB9];
	_ =	sdelay $0x3  }
0x36: {  	p1 =	seq.s32 s10, $0x1;
	s10 =	sld [smem:$0x3FBA];
	_ =	sdelay $0x3  }
0x37: {  	[smem:$0x3FBA] =	sst s10  }
0x38: {  	s10 =	sld [smem:$0x3FBB]  }
0x39: {  	_ = 	snop;
	(pc) =	sbr.ind lr, $3  }
0x3a: {  	_ = 	snop  }
0x3b: {  	_ = 	snop  }
0x3c: {  	p2 =	seq.s32 s10, $0x1;
	s10 =	sld [smem:$0x3FBA]  }
0x3d: {  	_ =	shalt  }
0x3e: {  	_ =	shalt  }
0x3f: {  	_ =	shalt  }
0x40: {  	_ =	shalt  }
0x41: {  	_ =	shalt  }
0x42: {  	_ =	shalt  }
0x43: {  	_ =	shalt  }
0x44: {  	_ =	shalt  }
0x45: {  	_ =	shalt  }
0x46: {  	_ =	shalt  }
0x47: {  	_ =	shalt  }
0x48: {  	_ =	shalt  }
0x49: {  	_ =	shalt  }
0x4a: {  	_ =	shalt  }
0x4b: {  	_ =	shalt  }
0x4c: {  	_ =	shalt  }
0x4d: {  	_ =	shalt  }
0x4e: {  	_ =	shalt  }
0x4f: {  	_ =	shalt  }
0x50: {  	_ =	shalt  }
0x51: {  	_ =	shalt  }
0x52: {  	_ =	shalt  }
0x53: {  	_ =	shalt  }
0x54: {  	_ =	shalt  }
0x55: {  	_ =	shalt  }
0x56: {  	_ =	shalt  }
0x57: {  	_ =	shalt  }
0x58: {  	_ =	shalt  }
0x59: {  	_ =	shalt  }
0x5a: {  	_ =	shalt  }
0x5b: {  	_ =	shalt  }
0x5c: {  	_ =	shalt  }
0x5d: {  	_ =	shalt  }
0x5e: {  	_ =	shalt  }
0x5f: {  	_ =	shalt  }
0x60: {  	_ =	shalt  }
0x61: {  	_ =	shalt  }
0x62: {  	_ =	shalt  }
0x63: {  	_ =	shalt  }
0x64: {  	_ =	shalt  }
0x65: {  	_ =	shalt  }
0x66: {  	_ =	shalt  }
0x67: {  	_ =	shalt  }
0x68: {  	_ =	shalt  }
0x69: {  	_ =	shalt  }
0x6a: {  	_ =	shalt  }
0x6b: {  	_ =	shalt  }
0x6c: {  	_ =	shalt  }
0x6d: {  	_ =	shalt  }
0x6e: {  	_ =	shalt  }
0x6f: {  	_ =	shalt  }
0x70: {  	_ =	shalt  }
0x71: {  	_ =	shalt  }
0x72: {  	_ =	shalt  }
0x73: {  	_ =	shalt  }
0x74: {  	_ =	shalt  }
0x75: {  	_ =	shalt  }
0x76: {  	_ =	shalt  }
0x77: {  	_ =	shalt  }
0x78: {  	_ =	shalt  }
0x79: {  	_ =	shalt  }
0x7a: {  	_ =	shalt  }
0x7b: {  	_ =	shalt  }
0x7c: {  	_ =	shalt  }
0x7d: {  	_ =	shalt  }
0x7e: {  	_ =	shalt  }
0x7f: {  	_ =	shalt  }
0x80: {  	_ =	shalt  }
0x81: {  	_ =	shalt  }
0x82: {  	_ =	shalt  }
0x83: {  	_ =	shalt  }
0x84: {  	_ =	shalt  }
0x85: {  	_ =	shalt  }
0x86: {  	_ =	shalt  }
0x87: {  	_ =	shalt  }
.Lfunc_end0:
.L_simem_size_0:
called_computation_lowered:
.L_overlay_start_0:
0x88: {  	s2 =	sld [smem:$0x3FD9]  }
0x89: {  	s3 =	sld [smem:$0x3FFE];
	_ =	sdelay $0x1  }
0x8a: {  	s1 =	srdreg.scid  }
0x8b: {  	s0 =	sand.u32 $0x1, s1  }
0x8c: {  	s17 =	sshll.u32 s0, $0xA;
	s2 =	sadd.s32 s3, s2  }
0x8d: {  	s2 =	sadd.s32 s2, s17  }
0x8e: {  	[smem:$0x3FC6] =	sst s2  }
0x8f: {  	_ = 	snop  }
0x90: {  	s2 =	sld [smem:$0x3FC8]  }
0x91: {  	s18 =	sld [smem:$0x3FD0];
	(tm) =	ssettm $0x1  }
0x92: {  	s4 =	sld [smem:$0x3FFB];
	_ =	sdelay $0x3  }
0x93: {  	_ =	strace s4  }
0x94: {  	s4 =	sld [smem:$0x3FFC];
	_ =	sdelay $0x3  }
0x95: {  	_ =	strace s4  }
0x96: {  	s4 =	sld [smem:$0x3FFD];
	_ =	sdelay $0x3  }
0x97: {  	_ =	strace s4  }
0x98: {  	_ =	strace $0x8FFFFFFF  }
0x99: {  	s19 =	sld [smem:$0x3FDB];
	_ =	sdelay $0x1  }
0x9a: {  	s5 =	simm.s32 $_scs_section_size  }
0x9b: {  	s6 =	simm.s32 $_size__tile_overlayer_lowered;
	s7 =	simm.s32 $_tile_overlayer_lowered  }
0x9c: {  	s22 =	simm.s32 $0x1BFF;
	s21 =	sshll.u32 s7, $0x1;
	s4 =	sadd.s32 s5, s19  }
0x9d: {  	s8 =	simm.s32 $0x0;
	s20 =	sshll.u32 s6, $0x1;
	s6 =	sadd.s32 s21, s4  }
0x9e: {  	[timem:s8], [sflag:s22] =	dma.local [hbm:s6], s20  }
0x9f: {  	_ =	swait.ge [sflag:s22], s20  }
0xa0: {  	s5 =	ssub.s32 $0x0, s20;
	[sflag:s22] =	ssyncset.done $0x0  }
0xa1: {  	[sflag:s22] =	ssyncadd.s32 s5;
	_ =	sdelay $0x1  }
0xa2: {  	s23 =	simm.s32 $0x1B8B  }
0xa3: {  	_ =	swait.ge [sflag:s23], $0x1  }
0xa4: {  	[sflag:s23] =	ssyncset.done $0x0  }
0xa5: {  	s25 =	simm.s32 $0x1B8E;
	s24 =	sld [smem:$0x3FFE];
	[sflag:s23] =	ssyncadd.s32 $0xFFFFFFFF  }
0xa6: {  	s26 =	simm.s32 $execute0_lowered;
	[smem:$0x3FD2] =	sst s25  }
0xa7: {  	s6 =	sshll.u32 s26, $0x1;
	_ =	strace $0x80000046;
	[dreg:$0x1] =	wrdreg $0xFFFFFFFF  }
0xa8: {  	s28 =	simm.s32 $_size_execute0_lowered;
	s4 =	sadd.s32 s4, s6;
	[dreg:$0x0] =	wrdreg $0x0  }
0xa9: {  	s6 =	sshll.u32 s28, $0x1;
	[dreg:$0x2] =	wrdreg s4  }
0xaa: {  	[dreg:$0x3] =	wrdreg s6  }
0xab: {  	[dreg:$0x4] =	wrdreg $0xC0  }
0xac: {  	_ =	task [dreg:s8], $0x5FFFF  }
0xad: {  	[dreg:$0x1] =	wrdreg $0xFFFFFFFF  }
0xae: {  	[dreg:$0x0] =	wrdreg $0x60  }
0xaf: {  	[dreg:$0x2] =	wrdreg s24  }
0xb0: {  	[dreg:$0x3] =	wrdreg s2  }
0xb1: {  	[dreg:$0x4] =	wrdreg s18  }
0xb2: {  	[dreg:$0x5] =	wrdreg $0x9  }
0xb3: {  	_ =	task.clear_ibuf [dreg:s8], $0x6FFFF;
	_ =	strace $0x90000046  }
0xb4: {  	s29 =	simm.s32 $0x9;
	_ =	strace $0x80000048  }
0xb5: {  	_ =	swait.ge [sflag:s29], $0x1  }
0xb6: {  	[sflag:s29] =	ssyncadd.s32 $0xFFFFFFFF  }
0xb7: {  	_ =	strace $0x90000048  }
0xb8: {  	_ =	sfence  }
0xb9: {  	s30 =	sld [smem:$0x0];
	_ =	sdelay $0x2  }
0xba: {  	s31 =	sshll.u32 s1, $0xD;
	s1 =	sshrl.u32 s1, $0x2  }
0xbb: {  	s3 =	sand.u32 $0x4000, s31;
	s1 =	sadd.s32 s1, s30  }
0xbc: {  	s0 =	sor.u32 s3, s0;
	s1 =	sshll.u32 s1, $0x11  }
0xbd: {  	s0 =	sor.u32 s1, s0  }
0xbe: {  	s0 =	sadd.s32 $0x8F2B, s0  }
0xbf: {  	[sflag:s0] =	ssyncadd.remote.s32 $0x1  }
0xc0: {  	_ =	sfence.sel $0xFFFF  }
0xc1: {  	[dreg:$0x0] =	wrdreg $0xFFFFFFFF;
	(pc) =	sbr.abs _section_cstart, $3  }
0xc2: {  	[dreg:$0x1] =	wrdreg $0xFFFFFFFF  }
0xc3: {  	_ =	task.clear_ibuf [dreg:s8], $0x2FFFF;
	_ =	strace $0x9FFFFFFF  }
0xc4: {  	(tm) =	ssettm $0x7FFFFFFF  }
0xc5: {  	_ =	shalt  }
tec
execute0_lowered:
.L_overlay_start_1:
0x0: {  	(tag) =	ssettag $0x1  }
0x1: {  	s0 =	rddreg [dreg:$0x0]  }
0x2: {  	s1 =	srdreg.scid;
	s2 =	stileid.u32  }
0x3: {  	s4 =	rddreg [dreg:$0x2];
	s1 =	sand.u32 $0x1, s1;
	s5 =	sshll.u32 s2, $0x1  }
0x4: {  	s12 =	simm.s32 $0x0;
	v0 =	vimm.s32 $0xECA86420;
	vm0 =	vcmask $0xB08;
	s5 =	sor.u32 s1, s5;
	s6 =	ssub.s32 $0x2, s1  }
0x5: {  	vm1 =	vcmask $0x1310;
	vm2 =	vcmask $0x1B18;
	vm4 =	vcmask $0x300;
	[smem:$0x7FF] =	sst s12;
	s5 =	smul.u32 $0x680, s5;
	s7 =	sshrl.u32 s6, $0x1  }
0x6: {  	vm5 =	vcmask $0x2320;
	vm6 =	vcmask $0x2B28;
	vm7 =	vcmask $0x3330;
	s29 =	sshll.u32 s2, $0xC;
	_ =	strace $0x80000047;
	s28 =	ssub.s32 s6, s7  }
0x7: {  	vm8 =	vcmask $0x3B38;
	v1 =	vlaneseq.u32;
	vm3 =	vmmov $0xff;
	s30 =	sadd.s32 s29, s4;
	s0 =	sadd.s32 s5, s0;
	s31 =	smax.u32 s28, $0x1  }
0x8: {  	vm9 =	vcmask $0x704;
	vm12 =	vcmask $0x1714;
	v0 =	vunpack.c.l.s4.s8 v0;
	s1 =	sshll.u32 s1, $0xB;
	s0 =	sadd.s32 $0x400, s0;
	[dreg:$0x8] =	wrdreg s31  }
0x9: {  	vm13 =	vcmask $0x1F1C;
	vm14 =	vcmask $0x2724;
	vm15 =	vcmask $0x2F2C;
	[dreg:$0x7] =	wrdreg s0;
	s0 =	sadd.s32 s1, s30  }
0xa: {  	vm11 =	vcmask $0xF0C;
	v1 =	vmul.u32 $0x2, v1;
	s2 =	simm.s32 $0x0;
	v0 =	vunpack.c.0.s8.s32 v0;
	[dreg:$0x9] =	wrdreg s0  }
.LBB2_1:
0xb: {  	[dreg:$0xa] =	wrdreg s2  }
0xc: {  	s0 =	rddreg [dreg:$0x7];
	s31 =	simm.s32 $0xD  }
0xd: {  	[tilespmem:s12], [sflag:$0xD] =	stream.linear.gather [hbm4b:s0+s12], $0x3200, $0x38;
	[tilespmem:$0x1B400] =	vst v63  }
0xe: {  	_ =	swait.ge [sflag:s31], $0x3200  }
0xf: {  	[sflag:s31] =	ssyncset.done $0x0  }
0x10: {  	s1 =	simm.s32 $0x0;
	s0 =	simm.s32 $0x0;
	[sflag:s31] =	ssyncadd.s32 $0xFFFFCE00  }
.LBB2_2:
0x11: {  	v2 =	vmov s0;
	_ =	sdelay $0x3  }
0x12: {  	s22 =	simm.s32 $0x0  }
0x13: {  	v3 =	vld.idx.msk [tilespmem:v2+s22+$0x0 ss:$0x1], $0xffff;
	_ =	sdelay $0x4  }
0x14: {  	(v2sf) =	vpush v3, $0x0  }
0x15: {  	(v2sf) =	vpush v3, $0x1  }
0x16: {  	(v2sf) =	vpush v3, $0x2;
	_ =	sdelay $0x1  }
0x17: {  	(v2sf) =	vpush v3, $0x7;
	_ =	sdelay $0x1  }
0x18: {  	(v2sf) =	vpush v3, $0x3  }
0x19: {  	(v2sf) =	vpush v3, $0x4  }
0x1a: {  	(v2sf) =	vpush v3, $0xA;
	_ =	sdelay $0x2  }
0x1b: {  	(v2sf) =	vpush v3, $0xC  }
0x1c: {  	(v2sf) =	vpush v3, $0x8;
	_ =	sdelay $0x1  }
0x1d: {  	(v2sf) =	vpush v3, $0xB  }
0x1e: {  	s5 =	spop (v2sf)  }
0x1f: {  	s4 =	smulhi.u32 $0x14F8B589, s5;
	s21 =	spop (v2sf)  }
0x20: {  	(v2sf) =	vpush v3, $0xD;
	s23 =	smulhi.u32 $0x14F8B589, s21;
	s6 =	spop (v2sf)  }
0x21: {  	[dreg:$0xb] =	wrdreg s0;
	(v2sf) =	vpush v3, $0x6;
	s0 =	sshra.s32 s21, $0x1F;
	s8 =	smulhi.u32 $0x14F8B589, s6  }
0x22: {  	(v2sf) =	vpush v3, $0xE;
	s7 =	spop (v2sf);
	s0 =	smul.u32 $0x14F8B589, s0  }
0x23: {  	(v2sf) =	vpush v3, $0x9;
	s6 =	sshra.s32 s6, $0x1F;
	s9 =	smulhi.u32 $0x14F8B589, s7  }
0x24: {  	s10 =	spop (v2sf);
	s11 =	sshra.s32 s7, $0x1F;
	s6 =	smul.u32 $0x14F8B589, s6  }
0x25: {  	(v2sf) =	vpush v3, $0xF;
	s7 =	spop (v2sf);
	s11 =	smul.u32 $0x14F8B589, s11  }
0x26: {  	s16 =	smulhi.u32 $0x14F8B589, s10;
	s12 =	spop (v2sf)  }
0x27: {  	s18 =	sshra.s32 s7, $0x1F;
	s13 =	smulhi.u32 $0x14F8B589, s12  }
0x28: {  	[dreg:$0xc] =	wrdreg s1;
	s12 =	sshra.s32 s12, $0x1F;
	s31 =	smul.u32 $0x14F8B589, s18  }
0x29: {  	s1 =	sadd.s32 s0, s23;
	s14 =	spop (v2sf);
	s12 =	smul.u32 $0x14F8B589, s12  }
0x2a: {  	(v2sf) =	vpush v3, $0x5;
	s0 =	sadd.s32 s6, s8;
	s15 =	spop (v2sf);
	s8 =	smulhi.u32 $0x14F8B589, s14  }
0x2b: {  	s20 =	sshra.s32 s14, $0x1F;
	s26 =	smulhi.u32 $0x14F8B589, s15  }
0x2c: {  	s17 =	spop (v2sf);
	s20 =	smul.u32 $0x14F8B589, s20  }
0x2d: {  	s15 =	sshra.s32 s15, $0x1F;
	s28 =	smulhi.u32 $0x14F8B589, s17  }
0x2e: {  	s3 =	sshra.s32 s5, $0x1F;
	s15 =	smul.u32 $0x14F8B589, s15  }
0x2f: {  	s19 =	spop (v2sf);
	s29 =	sadd.s32 s12, s13;
	s12 =	smul.u32 $0x14F8B589, s3  }
0x30: {  	s23 =	simm.s32 $0x40;
	s18 =	spop (v2sf);
	s5 =	smulhi.u32 $0x14F8B589, s19  }
0x31: {  	s19 =	sshra.s32 s19, $0x1F;
	s25 =	smulhi.u32 $0x14F8B589, s18;
	s21 =	spop (v2sf)  }
0x32: {  	s20 =	sadd.s32 s20, s8;
	s19 =	smul.u32 $0x14F8B589, s19;
	s30 =	spop (v2sf)  }
0x33: {  	s13 =	sadd.s32 s15, s26;
	s14 =	smulhi.u32 $0x14F8B589, s30;
	s3 =	sshra.s32 s30, $0x1F  }
0x34: {  	s18 =	sshra.s32 s18, $0x1F;
	s2 =	spop (v2sf);
	s8 =	smul.u32 $0x14F8B589, s3  }
0x35: {  	s26 =	sshrl.u32 s1, $0x1F;
	s24 =	sshra.s32 s2, $0x1F;
	s2 =	smulhi.u32 $0x14F8B589, s2  }
0x36: {  	s30 =	sshrl.u32 s0, $0x1F;
	s6 =	smul.u32 $0x14F8B589, s24;
	s24 =	sadd.s32 s11, s9  }
0x37: {  	s11 =	sshra.s32 s10, $0x1F;
	s10 =	smul.u32 $0x14F8B589, s18;
	s18 =	sshra.s32 s21, $0x1F  }
0x38: {  	s15 =	smul.u32 $0x14F8B589, s11;
	s11 =	sshra.s32 s17, $0x1F;
	s3 =	sshra.s32 s24, $0x1F  }
0x39: {  	s17 =	spop (v2sf);
	s2 =	sadd.s32 s6, s2;
	s6 =	sshrl.u32 s13, $0x1F  }
0x3a: {  	s9 =	sadd.s32 s15, s16;
	s16 =	sadd.s32 s12, s4;
	s15 =	smulhi.u32 $0x14F8B589, s21  }
0x3b: {  	s12 =	sshra.s32 s13, $0xD;
	s4 =	sadd.s32 s8, s14;
	s8 =	sshrl.u32 s20, $0x1F  }
0x3c: {  	s14 =	sshra.s32 s20, $0xD;
	s13 =	smulhi.u32 $0x14F8B589, s7;
	s21 =	sshrl.u32 s16, $0x1F  }
0x3d: {  	v8 =	vmov s3;
	v6 =	vmov s6;
	s20 =	smul.u32 $0x14F8B589, s18;
	s7 =	sshra.s32 s2, $0xD;
	s18 =	sshra.s32 s1, $0xD;
	v5 =	vmov s21  }
0x3e: {  	v4 =	vmov s12;
	s6 =	sshra.s32 s16, $0x1F;
	s12 =	sshrl.u32 s2, $0x1F;
	v7 =	vmov s14;
	s14 =	sshrl.u32 s29, $0x1F;
	v5 =	vnsel vm4, $0x0, v5  }
.LBB2_3:
0x3f: {  	s16 =	sshra.s32 s16, $0xD  }
0x40: {  	s21 =	smul.u32 $0x14F8B589, s11;
	s3 =	sshra.s32 s17, $0x1F;
	s1 =	sshra.s32 s1, $0x1F;
	v8 =	vsel vm4, s16, v8  }
0x41: {  	s2 =	sadd.s32 s19, s5;
	s15 =	sadd.s32 s20, s15;
	s19 =	smulhi.u32 $0x14F8B589, s17;
	v8 =	vsel vm9, s6, v8  }
0x42: {  	v9 =	vmov s8;
	v5 =	vsel vm0, s26, v5;
	s20 =	smul.u32 $0x14F8B589, s3;
	s3 =	sshrl.u32 s4, $0x1F;
	s13 =	sadd.s32 s31, s13;
	v8 =	vsel vm0, s18, v8  }
0x43: {  	vm10 =	vcmask $0x3734;
	v5 =	vsel vm1, s30, v5;
	s5 =	sadd.s32 s21, s28;
	s21 =	sshra.s32 s2, $0xD;
	s18 =	sshra.s32 s0, $0xD;
	v8 =	vsel vm11, s1, v8  }
0x44: {  	v6 =	vsel vm0, s3, v6;
	s2 =	sshrl.u32 s2, $0x1F;
	v7 =	vsel vm0, s21, v7;
	s6 =	sadd.s32 s20, s19;
	s19 =	sshra.s32 s0, $0x1F;
	v8 =	vsel vm1, s18, v8  }
0x45: {  	s16 =	sshra.s32 s15, $0xD;
	v6 =	vsel vm1, s14, v6;
	v9 =	vsel vm0, s2, v9;
	s20 =	sshra.s32 s4, $0xD;
	s21 =	sshra.s32 s9, $0xD;
	v8 =	vsel vm12, s19, v8  }
0x46: {  	s3 =	sshra.s32 s9, $0x1F;
	s8 =	sshra.s32 s13, $0xD;
	s17 =	sshrl.u32 s5, $0x1F;
	v7 =	vsel vm1, s16, v7;
	v4 =	vsel vm0, s20, v4;
	v8 =	vsel vm2, s21, v8  }
0x47: {  	s1 =	sadd.s32 s10, s25;
	s25 =	sshrl.u32 s15, $0x1F;
	s10 =	sshrl.u32 s9, $0x1F;
	v6 =	vsel vm2, s17, v6;
	v7 =	vsel vm2, s7, v7;
	v8 =	vsel vm13, s3, v8  }
0x48: {  	s14 =	sshra.s32 s13, $0x1F;
	v9 =	vsel vm1, s25, v9;
	s7 =	sshra.s32 s29, $0xD;
	v5 =	vsel vm2, s10, v5;
	v8 =	vsel vm5, s8, v8  }
0x49: {  	s15 =	sshrl.u32 s13, $0x1F;
	s16 =	sshra.s32 s6, $0xD;
	v9 =	vsel vm2, s12, v9;
	v4 =	vsel vm1, s7, v4;
	s12 =	sshra.s32 s5, $0xD;
	v8 =	vsel vm14, s14, v8  }
0x4a: {  	s18 =	sshrl.u32 s6, $0x1F;
	s19 =	sshra.s32 s6, $0x1F;
	v5 =	vsel vm5, s15, v5;
	v4 =	vsel vm2, s12, v4;
	v8 =	vsel vm6, s16, v8  }
0x4b: {  	s25 =	sshra.s32 s1, $0xD;
	v6 =	vcombine.low v6, v9;
	s21 =	sshrl.u32 s1, $0x1F;
	v5 =	vsel vm6, s18, v5;
	v8 =	vsel vm15, s19, v8  }
0x4c: {  	s26 =	sshrl.u32 s24, $0x1F;
	v4 =	vcombine.low v4, v7;
	s3 =	sshra.s32 s1, $0x1F;
	v5 =	vsel vm7, s21, v5;
	v7 =	vsel vm7, s25, v8  }
0x4d: {  	s20 =	sshra.s32 s24, $0xD;
	v5 =	vsel vm8, s26, v5;
	v7 =	vsel vm10, s3, v7  }
0x4e: {  	v6 =	vperm.xlane v6, v0;
	v5 =	vperm.xlane v5, v1;
	v7 =	vsel vm8, s20, v7  }
0x4f: {  	v4 =	vperm.xlane v4, v0;
	v7 =	vperm.xlane v7, v1;
	_ =	sdelay $0x1  }
0x50: {  	v5 =	vsel vm3, v5, v6;
	v4 =	vsel vm3, v7, v4  }
0x51: {  	v4 =	vadd.s32 v5, v4  }
0x52: {  	v4 =	vmul.u32 $0x186A0, v4;
	_ =	sdelay $0x1  }
0x53: {  	v4 =	vsub.s32 v3, v4  }
0x54: {  	s11 =	smov.u32 s23;
	vm10 =	vmmov vm9;
	vm9 =	veq.s32 v3, $0x0;
	v4 =	vadd.s32 $0x1, v4  }
0x55: {  	s6 =	sshra.s32 s11, $0x2;
	v3 =	vsel vm9, $0x0, v4  }
0x56: {  	s7 =	smov.u32 s6;
	[tilespmem:v2+s22+$0x0 ss:$0x1] =	vst.idx.msk $0xffff, v3  }
0x57: {  	v3 =	vld.idx.msk [tilespmem:v2+s7+$0x0 ss:$0x1], $0xffff;
	_ =	sdelay $0x4  }
0x58: {  	(v2sf) =	vpush v3, $0x0  }
0x59: {  	(v2sf) =	vpush v3, $0x1  }
0x5a: {  	(v2sf) =	vpush v3, $0x2;
	_ =	sdelay $0x1  }
0x5b: {  	(v2sf) =	vpush v3, $0x7;
	_ =	sdelay $0x2  }
0x5c: {  	(v2sf) =	vpush v3, $0x3  }
0x5d: {  	(v2sf) =	vpush v3, $0x4  }
0x5e: {  	(v2sf) =	vpush v3, $0xA;
	_ =	sdelay $0x2  }
0x5f: {  	(v2sf) =	vpush v3, $0xC  }
0x60: {  	(v2sf) =	vpush v3, $0x8;
	_ =	sdelay $0x1  }
0x61: {  	(v2sf) =	vpush v3, $0xB;
	s8 =	spop (v2sf)  }
0x62: {  	(v2sf) =	vpush v3, $0xD;
	s9 =	smulhi.u32 $0x14F8B589, s8;
	s10 =	spop (v2sf)  }
0x63: {  	(v2sf) =	vpush v3, $0x6;
	s11 =	smulhi.u32 $0x14F8B589, s10;
	s12 =	spop (v2sf)  }
0x64: {  	s0 =	sshra.s32 s10, $0x1F;
	[dreg:$0x5] =	wrdreg s9;
	s13 =	smulhi.u32 $0x14F8B589, s12  }
0x65: {  	(v2sf) =	vpush v3, $0xE;
	s24 =	spop (v2sf);
	s0 =	smul.u32 $0x14F8B589, s0  }
0x66: {  	s9 =	sshra.s32 s8, $0x1F;
	s2 =	sshra.s32 s12, $0x1F;
	s8 =	smulhi.u32 $0x14F8B589, s24  }
0x67: {  	[dreg:$0x4] =	wrdreg s7;
	(v2sf) =	vpush v3, $0x9;
	s6 =	sshra.s32 s24, $0x1F;
	s2 =	smul.u32 $0x14F8B589, s2  }
0x68: {  	s25 =	spop (v2sf);
	s6 =	smul.u32 $0x14F8B589, s6  }
0x69: {  	(v2sf) =	vpush v3, $0xF;
	s7 =	sshra.s32 s25, $0x1F;
	s12 =	spop (v2sf);
	s18 =	smulhi.u32 $0x14F8B589, s25  }
0x6a: {  	s4 =	spop (v2sf);
	s7 =	smul.u32 $0x14F8B589, s7  }
0x6b: {  	s26 =	sshra.s32 s12, $0x1F;
	s14 =	smulhi.u32 $0x14F8B589, s4  }
0x6c: {  	p0 =	sne.s32 s23, $0x1C0;
	s16 =	sshra.s32 s4, $0x1F;
	s31 =	smul.u32 $0x14F8B589, s26  }
0x6d: {  	s1 =	sadd.s32 s0, s11;
	s15 =	spop (v2sf);
	s21 =	smul.u32 $0x14F8B589, s16  }
0x6e: {  	s17 =	spop (v2sf);
	s19 =	sshra.s32 s15, $0x1F;
	s15 =	smulhi.u32 $0x14F8B589, s15  }
0x6f: {  	s23 =	sadd.s32 $0x40, s23;
	s28 =	sshrl.u32 s1, $0x1F;
	s5 =	smulhi.u32 $0x14F8B589, s17  }
0x70: {  	s0 =	sadd.s32 s2, s13;
	s22 =	spop (v2sf);
	s16 =	smul.u32 $0x14F8B589, s19  }
0x71: {  	s24 =	sshra.s32 s17, $0x1F;
	s3 =	smulhi.u32 $0x14F8B589, s22;
	s20 =	spop (v2sf)  }
0x72: {  	s19 =	smul.u32 $0x14F8B589, s24;
	s24 =	sadd.s32 s6, s8;
	s2 =	spop (v2sf)  }
0x73: {  	(v2sf) =	vpush v3, $0x5;
	s15 =	sadd.s32 s16, s15;
	s16 =	smul.u32 $0x14F8B589, s9;
	[dreg:$0x6] =	wrdreg s3  }
0x74: {  	s4 =	smulhi.u32 $0x14F8B589, s2;
	s3 =	spop (v2sf);
	s19 =	sadd.s32 s19, s5  }
0x75: {  	s5 =	smulhi.u32 $0x14F8B589, s20;
	s8 =	sshrl.u32 s15, $0x1F;
	s15 =	sshra.s32 s15, $0xD  }
0x76: {  	s11 =	sshra.s32 s22, $0x1F;
	s10 =	spop (v2sf);
	v7 =	vmov s15;
	s15 =	smulhi.u32 $0x14F8B589, s3  }
0x77: {  	s13 =	sshra.s32 s20, $0x1F;
	s2 =	sshra.s32 s2, $0x1F;
	s20 =	smulhi.u32 $0x14F8B589, s10  }
0x78: {  	s25 =	sshra.s32 s10, $0x1F;
	s17 =	spop (v2sf);
	s10 =	smul.u32 $0x14F8B589, s2  }
0x79: {  	s29 =	sadd.s32 s21, s14;
	s22 =	sshra.s32 s3, $0x1F;
	s2 =	smulhi.u32 $0x14F8B589, s17  }
0x7a: {  	s6 =	sshra.s32 s19, $0xD;
	s26 =	sshra.s32 s17, $0x1F;
	s3 =	smul.u32 $0x14F8B589, s25  }
0x7b: {  	s21 =	smul.u32 $0x14F8B589, s26;
	s26 =	sshrl.u32 s19, $0x1F;
	s19 =	rddreg [dreg:$0x5]  }
0x7c: {  	s30 =	sshrl.u32 s0, $0x1F;
	s16 =	sadd.s32 s16, s19;
	s19 =	smul.u32 $0x14F8B589, s13  }
0x7d: {  	s9 =	sadd.s32 s7, s18;
	s18 =	sshra.s32 s1, $0xD;
	s13 =	smulhi.u32 $0x14F8B589, s12  }
.Ltmp0:
0x7e: {  	s14 =	sshrl.u32 s29, $0x1F;
	s25 =	smov.u32 s4;
	(pc) =	sbr.rel @p0 .LBB2_3-.Ltmp0, $4  }
0x7f: {  	v6 =	vmov s26;
	s26 =	sshra.s32 s24, $0x1F;
	s4 =	sadd.s32 s3, s20;
	s20 =	smul.u32 $0x14F8B589, s22  }
0x80: {  	v4 =	vmov s6;
	s22 =	rddreg [dreg:$0x4];
	s6 =	sshra.s32 s16, $0x1F;
	s7 =	sshrl.u32 s16, $0x1F  }
0x81: {  	v8 =	vmov s26;
	s26 =	smov.u32 s28;
	s28 =	rddreg [dreg:$0x6];
	s2 =	sadd.s32 s21, s2;
	v5 =	vmov s7  }
0x82: {  	vm9 =	vmmov vm10;
	s12 =	sshrl.u32 s2, $0x1F;
	s7 =	sshra.s32 s2, $0xD;
	v5 =	vnsel vm4, $0x0, v5;
	s17 =	spop (v2sf)  }
0x83: {  	s2 =	sshra.s32 s16, $0xD  }
0x84: {  	v8 =	vsel vm4, s2, v8  }
0x85: {  	s3 =	sadd.s32 s20, s15;
	s1 =	sshra.s32 s1, $0x1F;
	s23 =	sshra.s32 s17, $0x1F;
	v8 =	vsel vm9, s6, v8  }
0x86: {  	s15 =	sshra.s32 s0, $0xD;
	v5 =	vsel vm0, s26, v5;
	s2 =	sadd.s32 s19, s5;
	s5 =	smul.u32 $0x14F8B589, s11;
	v8 =	vsel vm0, s18, v8  }
0x87: {  	v9 =	vmov s8;
	s20 =	sshra.s32 s9, $0xD;
	v5 =	vsel vm1, s30, v5;
	s6 =	smulhi.u32 $0x14F8B589, s17;
	s16 =	sshra.s32 s2, $0xD;
	v8 =	vsel vm11, s1, v8  }
0x88: {  	s17 =	sshrl.u32 s4, $0x1F;
	s2 =	sshrl.u32 s2, $0x1F;
	vm9 =	vcmask $0x3734;
	s18 =	sshra.s32 s0, $0x1F;
	v7 =	vsel vm0, s16, v7;
	v8 =	vsel vm1, s15, v8  }
0x89: {  	s19 =	sshra.s32 s3, $0xD;
	s21 =	smul.u32 $0x14F8B589, s23;
	s23 =	sshra.s32 s9, $0x1F;
	v6 =	vsel vm0, s17, v6;
	v9 =	vsel vm0, s2, v9;
	v8 =	vsel vm12, s18, v8  }
0x8a: {  	s3 =	sshrl.u32 s3, $0x1F;
	s17 =	sshrl.u32 s9, $0x1F;
	s1 =	sadd.s32 s31, s13;
	v6 =	vsel vm1, s14, v6;
	v7 =	vsel vm1, s19, v7;
	v8 =	vsel vm2, s20, v8  }
0x8b: {  	s31 =	sshra.s32 s4, $0xD;
	s11 =	sadd.s32 s21, s6;
	v9 =	vsel vm1, s3, v9;
	v5 =	vsel vm2, s17, v5;
	s4 =	sshra.s32 s1, $0xD;
	v8 =	vsel vm13, s23, v8  }
0x8c: {  	v7 =	vsel vm2, s7, v7;
	s7 =	sadd.s32 s5, s28;
	v4 =	vsel vm0, s31, v4;
	s13 =	sshra.s32 s1, $0x1F;
	s15 =	sshra.s32 s29, $0xD;
	v8 =	vsel vm5, s4, v8  }
0x8d: {  	v9 =	vsel vm2, s12, v9;
	s16 =	sshra.s32 s11, $0xD;
	s1 =	sshrl.u32 s1, $0x1F;
	v4 =	vsel vm1, s15, v4;
	s18 =	sshra.s32 s7, $0xD;
	v8 =	vsel vm14, s13, v8  }
0x8e: {  	s14 =	sadd.s32 s10, s25;
	s19 =	sshra.s32 s11, $0x1F;
	v5 =	vsel vm5, s1, v5;
	v4 =	vsel vm2, s18, v4;
	s20 =	sshrl.u32 s7, $0x1F;
	v8 =	vsel vm6, s16, v8  }
0x8f: {  	s21 =	sshra.s32 s14, $0xD;
	v6 =	vsel vm2, s20, v6;
	s23 =	sshrl.u32 s11, $0x1F;
	v4 =	vcombine.low v4, v7;
	v8 =	vsel vm15, s19, v8  }
0x90: {  	s25 =	sshra.s32 s14, $0x1F;
	s28 =	sshrl.u32 s14, $0x1F;
	v5 =	vsel vm6, s23, v5;
	v6 =	vcombine.low v6, v9;
	v8 =	vsel vm7, s21, v8  }
0x91: {  	s26 =	sshra.s32 s24, $0xD;
	s29 =	sshrl.u32 s24, $0x1F;
	v5 =	vsel vm7, s28, v5;
	v4 =	vperm.xlane v4, v0;
	v8 =	vsel vm9, s25, v8  }
0x92: {  	v5 =	vsel vm8, s29, v5;
	v6 =	vperm.xlane v6, v0;
	v8 =	vsel vm8, s26, v8  }
0x93: {  	v5 =	vperm.xlane v5, v1;
	v63 =	vperm.xlane v8, v1;
	_ =	sdelay $0x1  }
0x94: {  	s30 =	rddreg [dreg:$0xc];
	v5 =	vsel vm3, v5, v6;
	v4 =	vsel vm3, v63, v4  }
0x95: {  	s1 =	sadd.s32 $0x1, s30;
	v4 =	vadd.s32 v5, v4  }
0x96: {  	p0 =	sne.s32 s1, $0x64;
	v4 =	vmul.u32 $0x186A0, v4  }
.Ltmp1:
0x97: {  	_ = 	snop;
	(pc) =	sbr.rel @p0 .LBB2_2-.Ltmp1, $4  }
0x98: {  	v4 =	vsub.s32 v3, v4  }
0x99: {  	vm9 =	veq.s32 v3, $0x0;
	v4 =	vadd.s32 $0x1, v4  }
0x9a: {  	s31 =	rddreg [dreg:$0xb];
	v3 =	vsel vm9, $0x0, v4  }
0x9b: {  	s0 =	sadd.s32 $0x80, s31;
	vm9 =	vmmov vm10;
	[tilespmem:v2+s22+$0x0 ss:$0x1] =	vst.idx.msk $0xffff, v3  }
0x9c: {  	s0 =	simm.s32 $0x0;
	s11 =	rddreg [dreg:$0x1]  }
0x9d: {  	s2 =	simm.s32 $0x80;
	s1 =	simm.s32 $0x3400;
	s29 =	simm.s32 $0x3  }
0x9e: {  	[tilespmem:s1], [sflag:$0x1] =	stream.indirect.gather [hbm4b:s11+s2], $0x80, s0, s2, $0xb8;
	[tilespmem:$0x1B400] =	vst v63  }
0x9f: {  	s28 =	simm.s32 $0x7400;
	s3 =	simm.s32 $0x100;
	s1 =	smul.u32 $0xAB, s29  }
0xa0: {  	[tilespmem:s28], [sflag:$0x2] =	stream.indirect.gather [hbm4b:s11+s2], $0x80, s2, s2, $0xb8;
	[tilespmem:$0x1B400] =	vst v63  }
0xa1: {  	s4 =	simm.s32 $0xB400;
	s5 =	simm.s32 $0x2;
	s1 =	sshrl.u32 s1, $0xA  }
0xa2: {  	p0 =	por $0x0, $0x0;
	s30 =	smul.u32 $0xAB, s0;
	s1 =	sand.u32 $0x3F, s1  }
0xa3: {  	[tilespmem:s4], [sflag:$0x3] =	stream.indirect.gather [hbm4b:s11+s2], $0x80, s3, s2, $0xb8;
	[tilespmem:$0x1B400] =	vst v63  }
0xa4: {  	s12 =	simm.s32 $0x0;
	s1 =	smul.u32 $0x6, s1;
	s2 =	sshrl.u32 s30, $0xA  }
0xa5: {  	s0 =	simm.s32 $0x1;
	p1 =	por @!p0 $0x1, $0x1;
	s2 =	sand.u32 $0x3F, s2  }
0xa6: {  	s8 =	simm.s32 @!p0 $0x80;
	s1 =	ssub.s32 $0x3, s1;
	s2 =	smul.u32 $0x6, s2  }
0xa7: {  	p1 =	por p1, p0;
	s3 =	simm.s32 $0x180;
	s1 =	sand.u32 $0xFF, s1  }
0xa8: {  	s4 =	sadd.s32 @!p1 $0x7, s1;
	s6 =	sshll.u32 @!p0 s1, $0xE;
	s2 =	ssub.s32 $0x0, s2  }
0xa9: {  	s7 =	sadd.s32 @!p0 $0x1, s1;
	_ =	swait.ge @!p1 [sflag:s4], $0x4000;
	s2 =	sand.u32 $0xFF, s2  }
0xaa: {  	s1 =	simm.s32 $0x200;
	[sflag:s4] =	ssyncset.done @!p1 $0x0;
	s10 =	sadd.s32 $0x1, s2  }
0xab: {  	s31 =	sshll.u32 s2, $0xE;
	[sflag:s4] =	ssyncadd.s32 @!p1 $0xFFFFC000;
	s4 =	sor.u32 @!p0 $0x3400, s6  }
0xac: {  	[tilespmem:s4], [sflag:s7] =	stream.indirect.gather @!p0 [hbm4b:s11+s8], $0x80, s3, s8, $0xb8;
	[tilespmem:$0x1B400] =	vst v63  }
0xad: {  	s9 =	sadd.s32 $0x7, s2;
	s6 =	simm.s32 $0x4;
	_ =	swait.ge [sflag:s10], $0x4000  }
0xae: {  	s8 =	smul.u32 $0xAB, s6;
	s7 =	rddreg [dreg:$0x9];
	[sflag:s10] =	ssyncset.done $0x0  }
0xaf: {  	s4 =	sadd.s32 $0x10000, s7;
	[sflag:s10] =	ssyncadd.s32 $0xFFFFC000;
	s10 =	sor.u32 $0x3400, s31  }
.LBB2_6:
0xb0: {  	[hbm4b:s7+s12] =	stream.linear.scatter [tilespmem:s10], [sflag:s9], $0x4000, $0x38;
	[tilespmem:$0x1B400] =	vst v63  }
0xb1: {  	s2 =	smov.u32 s0;
	s0 =	smov.u32 s5;
	s3 =	smov.u32 s1  }
0xb2: {  	s5 =	sadd.s32 $0x1, s5;
	s7 =	smov.u32 s4;
	s8 =	sshrl.u32 s8, $0xA  }
0xb3: {  	p0 =	sne.s32 s5, $0x64;
	s9 =	smul.u32 $0xAB, s2;
	s8 =	sand.u32 $0x3F, s8  }
0xb4: {  	s8 =	smul.u32 $0x6, s8  }
0xb5: {  	p1 =	sgt.u32 s2, $0x60;
	s9 =	sshrl.u32 s9, $0xA  }
0xb6: {  	p2 =	slt.u32 @!p1 s2, $0x3;
	s6 =	ssub.s32 s6, s8;
	s8 =	sand.u32 $0x3F, s9  }
0xb7: {  	p2 =	por p2, p1;
	s6 =	sand.u32 $0xFF, s6;
	s8 =	smul.u32 $0x6, s8  }
0xb8: {  	s9 =	sadd.s32 @!p2 $0x7, s6;
	s10 =	sshll.u32 @!p1 s6, $0xE;
	s6 =	sadd.s32 @!p1 $0x1, s6  }
0xb9: {  	s1 =	sadd.s32 $0x80, s1;
	_ =	swait.ge @!p2 [sflag:s9], $0x4000;
	s2 =	ssub.s32 s2, s8  }
0xba: {  	s8 =	simm.s32 @!p1 $0x80;
	[sflag:s9] =	ssyncset.done @!p2 $0x0;
	s2 =	sand.u32 $0xFF, s2  }
0xbb: {  	[sflag:s9] =	ssyncadd.s32 @!p2 $0xFFFFC000  }
.Ltmp2:
0xbc: {  	s9 =	sor.u32 @!p1 $0x3400, s10;
	s10 =	sadd.s32 $0x1, s2;
	(pc) =	sbr.rel @p0 .LBB2_6-.Ltmp2, $4  }
0xbd: {  	[tilespmem:s9], [sflag:s6] =	stream.indirect.gather @!p1 [hbm4b:s11+s8], $0x80, s3, s8, $0xb8;
	[tilespmem:$0x1B400] =	vst v63  }
0xbe: {  	s4 =	sadd.s32 $0x10000, s4;
	s3 =	sshll.u32 s2, $0xE;
	_ =	swait.ge [sflag:s10], $0x4000  }
0xbf: {  	s6 =	sadd.s32 $0x3, s0;
	s9 =	sadd.s32 $0x7, s2;
	[sflag:s10] =	ssyncset.done $0x0  }
0xc0: {  	s8 =	smul.u32 $0xAB, s6;
	[sflag:s10] =	ssyncadd.s32 $0xFFFFC000;
	s10 =	sor.u32 $0x3400, s3  }
0xc1: {  	[hbm4b:s7+s12] =	stream.linear.scatter [tilespmem:s10], [sflag:s9], $0x4000, $0x38;
	[tilespmem:$0x1B400] =	vst v63  }
0xc2: {  	s3 =	smul.u32 $0xAB, s0;
	s2 =	sshrl.u32 s8, $0xA  }
0xc3: {  	s2 =	sand.u32 $0x3F, s2  }
0xc4: {  	s3 =	sshrl.u32 s3, $0xA;
	s2 =	smul.u32 $0x6, s2  }
0xc5: {  	p0 =	sgt.u32 s0, $0x60;
	s3 =	sand.u32 $0x3F, s3  }
0xc6: {  	p1 =	slt.u32 @!p0 s0, $0x3;
	s3 =	smul.u32 $0x6, s3;
	s2 =	ssub.s32 s6, s2  }
0xc7: {  	p1 =	por p1, p0;
	s2 =	sand.u32 $0xFF, s2  }
0xc8: {  	s20 =	ssub.s32 s0, s3;
	s5 =	sadd.s32 @!p1 $0x7, s2  }
0xc9: {  	s3 =	simm.s32 @!p0 $0x80;
	s6 =	sshll.u32 @!p0 s2, $0xE;
	_ =	swait.ge @!p1 [sflag:s5], $0x4000  }
0xca: {  	s2 =	sadd.s32 @!p0 $0x1, s2;
	s0 =	sand.u32 $0xFF, s20;
	[sflag:s5] =	ssyncset.done @!p1 $0x0  }
0xcb: {  	s21 =	sadd.s32 $0x1, s0;
	[sflag:s5] =	ssyncadd.s32 @!p1 $0xFFFFC000;
	s5 =	sor.u32 @!p0 $0x3400, s6  }
0xcc: {  	[tilespmem:s5], [sflag:s2] =	stream.indirect.gather @!p0 [hbm4b:s11+s3], $0x80, s1, s3, $0xb8;
	[tilespmem:$0x1B400] =	vst v63  }
0xcd: {  	_ =	swait.ge [sflag:s21], $0x4000  }
0xce: {  	s23 =	simm.s32 $0xB;
	s22 =	sshll.u32 s0, $0xE;
	[sflag:s21] =	ssyncset.done $0x0  }
0xcf: {  	s0 =	sadd.s32 $0x7, s0;
	s1 =	sor.u32 $0x3400, s22;
	[sflag:s21] =	ssyncadd.s32 $0xFFFFC000  }
0xd0: {  	[hbm4b:s4+s12] =	stream.linear.scatter [tilespmem:s1], [sflag:s0], $0x4000, $0x38;
	[tilespmem:$0x1B400] =	vst v63  }
0xd1: {  	_ =	swait.ge [sflag:s23], $0x4000  }
0xd2: {  	[sflag:s23] =	ssyncset.done $0x0  }
0xd3: {  	s24 =	simm.s32 $0xC;
	[sflag:s23] =	ssyncadd.s32 $0xFFFFC000  }
0xd4: {  	_ =	swait.ge [sflag:s24], $0x4000  }
0xd5: {  	[sflag:s24] =	ssyncset.done $0x0  }
0xd6: {  	s25 =	simm.s32 $0x7;
	[sflag:s24] =	ssyncadd.s32 $0xFFFFC000  }
0xd7: {  	_ =	swait.ge [sflag:s25], $0x4000  }
0xd8: {  	[sflag:s25] =	ssyncset.done $0x0  }
0xd9: {  	s26 =	simm.s32 $0x8;
	[sflag:s25] =	ssyncadd.s32 $0xFFFFC000  }
0xda: {  	_ =	swait.ge [sflag:s26], $0x4000  }
0xdb: {  	[sflag:s26] =	ssyncset.done $0x0  }
0xdc: {  	s28 =	simm.s32 $0x9;
	[sflag:s26] =	ssyncadd.s32 $0xFFFFC000  }
0xdd: {  	_ =	swait.ge [sflag:s28], $0x4000  }
0xde: {  	[sflag:s28] =	ssyncset.done $0x0  }
0xdf: {  	s29 =	simm.s32 $0xA;
	[sflag:s28] =	ssyncadd.s32 $0xFFFFC000  }
0xe0: {  	_ =	swait.ge [sflag:s29], $0x4000  }
0xe1: {  	s30 =	rddreg [dreg:$0xa]  }
0xe2: {  	s31 =	rddreg [dreg:$0x8];
	s2 =	sadd.s32 $0x1, s30  }
0xe3: {  	p0 =	sne.s32 s2, s31  }
.Ltmp3:
0xe4: {  	_ = 	snop;
	(pc) =	sbr.rel @p0 .LBB2_1-.Ltmp3, $3  }
0xe5: {  	_ =	sdelay $0x1  }
0xe6: {  	[sflag:s29] =	ssyncset.done $0x0  }
0xe7: {  	[sflag:s29] =	ssyncadd.s32 $0xFFFFC000  }
0xe8: {  	_ =	sfence.sel $0x180000  }
0xe9: {  	[bflag:$0x0] =	sbarrier.arrive $0xFFFF  }
0xea: {  	_ =	strace $0x90000047  }
0xeb: {  	s0 =	stileid.u32;
	[bflag:$0x2] =	sbarrier.arrive $0xFFFF  }
0xec: {  	p0 =	sne.s32 s0, $0x0;
	s0 =	rddreg [dreg:$0x3]  }
0xed: {  	s0 =	sadd.s32 @!p0 $0x100000, s0  }
0xee: {  	[sflag:s0] =	ssyncadd.tile.s32 @!p0 $0x1;
	_ =	shalt  }
.Lfunc_end2:
_tile_overlayer_lowered:
.L_overlay_start_2:
0xef: {  	(tag) =	ssettag $0x2  }
0xf0: {  	s0 =	rddreg [dreg:$0x0];
	s2 =	stileid.u32  }
0xf1: {  	s1 =	rddreg [dreg:$0x1];
	p0 =	sne.s32 s2, $0x0  }
0xf2: {  	s3 =	rddreg [dreg:$0x2];
	[bflag:$0x3] =	sbarrier.arrive $0xFFFF;
	s2 =	simm.s32 @!p0 $0x1C0D  }
0xf3: {  	[timem:s3], [sflag:s2] =	dma.local @!p0 [hbm:s0], s1  }
0xf4: {  	s0 =	simm.s32 @!p0 $0xD  }
0xf5: {  	_ =	swait.ge @!p0 [sflag:s0], s1  }
0xf6: {  	s1 =	ssub.s32 @!p0 $0x0, s1;
	[sflag:s0] =	ssyncset.done @!p0 $0x0  }
0xf7: {  	[sflag:s0] =	ssyncadd.s32 @!p0 s1  }
0xf8: {  	[bflag:$0x3] =	sbarrier.arrive $0xFFFF  }
0xf9: {  	_ =	shalt  }

</sc_bundles>
